<compile_context>
chip_gen: v7x
topology: tpu7x:2x2x1
jax: 0.10.2.dev20260603
libtpu: 0.0.44.dev20260713+nightly
codegen_flags: <defaults>
</compile_context>

<pallas_src>
import functools

import jax
import jax.numpy as jnp
from jax import lax
from jax.experimental import pallas as pl
from jax.experimental.pallas import tpu as pltpu
from jax.experimental.pallas import tpu_sc as plsc

B, L, D = 4, 2048, 64
K_MAX_OUT = 64
N_ROWS = 2 * B * L
PACK_BLK = 2048
N_TILES = 32
TILES_PER_BATCH = N_TILES // B
Q_PER_TILE = L // TILES_PER_BATCH
N_CHUNKS = L // 16


def _sig(x, w):
    bits = jnp.where(x > 0, 1.0, 0.0)
    h = jnp.dot(bits, w, preferred_element_type=jnp.float32)
    h0 = h[:, 0:1].astype(jnp.int32)
    h1 = h[:, 1:2].astype(jnp.int32)
    h2 = h[:, 2:3].astype(jnp.int32)
    h3 = h[:, 3:4].astype(jnp.int32)
    return h0 | (h1 << 16), h2 | (h3 << 16)


def _pack_body(w_ref, q_ref, k_ref, klo_ref, khi_ref, lor_ref, hir_ref):
    w = w_ref[...]
    klo, khi = _sig(k_ref[...], w)
    klo_ref[...] = klo
    khi_ref[...] = khi
    qlo, qhi = _sig(q_ref[...], w)
    lor_ref[...] = jnp.broadcast_to(qlo, (PACK_BLK, 16))
    hir_ref[...] = jnp.broadcast_to(qhi, (PACK_BLK, 16))


_pack = pl.pallas_call(
    _pack_body,
    grid=(B * L // PACK_BLK,),
    in_specs=[
        pl.BlockSpec((D, 128), lambda g: (0, 0)),
        pl.BlockSpec((PACK_BLK, D), lambda g: (g, 0)),
        pl.BlockSpec((PACK_BLK, D), lambda g: (g, 0)),
    ],
    out_specs=[
        pl.BlockSpec((PACK_BLK, 1), lambda g: (g, 0)),
        pl.BlockSpec((PACK_BLK, 1), lambda g: (g, 0)),
        pl.BlockSpec((PACK_BLK, 16), lambda g: (g, 0)),
        pl.BlockSpec((PACK_BLK, 16), lambda g: (g, 0)),
    ],
    out_shape=[
        jax.ShapeDtypeStruct((B * L, 1), jnp.int32),
        jax.ShapeDtypeStruct((B * L, 1), jnp.int32),
        jax.ShapeDtypeStruct((B * L, 16), jnp.int32),
        jax.ShapeDtypeStruct((B * L, 16), jnp.int32),
    ],
)


NB = 512
CAP = 16


def _find_body(lo_hbm, hi_hbm, lor_hbm, hir_hbm, out_hbm,
               qlo_v, qhi_v, klo_v, khi_v, bcnt_v, blo_v, bhi_v, bidx_v,
               row_v, out_v):
    c = lax.axis_index("c")
    s = lax.axis_index("s")
    wid = s * 2 + c
    b = wid // TILES_PER_BATCH
    j = wid % TILES_PER_BATCH
    qbase = b * L + j * Q_PER_TILE
    kbase = b * L

    pltpu.sync_copy(lor_hbm.at[pl.ds(qbase, Q_PER_TILE), :], qlo_v)
    pltpu.sync_copy(hir_hbm.at[pl.ds(qbase, Q_PER_TILE), :], qhi_v)
    pltpu.sync_copy(lo_hbm.at[pl.ds(kbase, L)], klo_v)
    pltpu.sync_copy(hi_hbm.at[pl.ds(kbase, L)], khi_v)

    lane = lax.iota(jnp.int32, 16)
    neg1 = jnp.full((16,), -1.0, jnp.float32)
    zero16 = jnp.zeros((16,), jnp.int32)

    def zero_cnt(t, carry):
        bcnt_v[pl.ds(t * 16, 16)] = zero16
        return carry
    lax.fori_loop(0, NB // 16, zero_cnt, jnp.int32(0))

    def build_chunk(ci, ovf):
        klo = klo_v[pl.ds(ci * 16, 16)]
        khi = khi_v[pl.ds(ci * 16, 16)]
        h = klo & (NB - 1)
        rank, lastm = plsc.scan_count(h)
        base = plsc.load_gather(bcnt_v, [h])
        pos = base + rank - 1
        ok = pos < CAP
        dest = h * CAP + jnp.minimum(pos, CAP - 1)
        plsc.store_scatter(blo_v, [dest], klo, mask=ok)
        plsc.store_scatter(bhi_v, [dest], khi, mask=ok)
        plsc.store_scatter(bidx_v, [dest], (lane + ci * 16).astype(jnp.float32),
                           mask=ok)
        plsc.addupdate_scatter(bcnt_v, [h], rank, mask=lastm)
        return ovf | jnp.where(ok, 0, 1)
    ovf = lax.fori_loop(0, N_CHUNKS, build_chunk, zero16)
    n_ovf = plsc.all_reduce_population_count(ovf > 0)[0]

    @plsc.parallel_loop(0, Q_PER_TILE * 4 + 1, unroll=8)
    def _init_out(t):
        out_v[pl.ds(t * 16, 16)] = neg1

    capv = jnp.full((16,), CAP, jnp.int32)

    @plsc.parallel_loop(0, Q_PER_TILE, unroll=8)
    def _probe(i):
        qlo = qlo_v[i, :]
        qhi = qhi_v[i, :]
        qh = qlo & (NB - 1)
        nv = plsc.load_gather(bcnt_v, [qh])
        bb = qh * CAP + lane
        blo = plsc.load_gather(blo_v, [bb])
        bhi = plsc.load_gather(bhi_v, [bb])
        bidx = plsc.load_gather(bidx_v, [bb])
        m0 = (blo == qlo) & (bhi == qhi) & (lane < nv) & (nv <= capv)
        plsc.store_compressed(out_v.at[pl.ds(i * K_MAX_OUT, 16)], bidx, mask=m0)

    @pl.when(n_ovf > 0)
    def _overflow_pass():
        def per_query(i, carry):
            qlo = qlo_v[i, :]
            qhi = qhi_v[i, :]
            qh = qlo & (NB - 1)
            n = plsc.load_gather(bcnt_v, [qh])[0]

            def full_scan():
                for t in range(5):
                    row_v[pl.ds(t * 16, 16)] = neg1

                def scan_chunk(ci, cnt):
                    klo = klo_v[pl.ds(ci * 16, 16)]
                    khi = khi_v[pl.ds(ci * 16, 16)]
                    m = jnp.logical_and(klo == qlo, khi == qhi)
                    nm = plsc.all_reduce_population_count(m)[0]

                    def matched(cn):
                        fidx = (lane + ci * 16).astype(jnp.float32)
                        off = jnp.minimum(cn, K_MAX_OUT)
                        plsc.store_compressed(row_v.at[pl.ds(off, 16)],
                                              fidx, mask=m)
                        return cn + nm

                    return lax.cond(nm > 0, matched, lambda cn: cn, cnt)

                lax.fori_loop(0, N_CHUNKS, scan_chunk, jnp.int32(0))
                for t in range(4):
                    out_v[pl.ds(i * K_MAX_OUT + t * 16, 16)] = \
                        row_v[pl.ds(t * 16, 16)]

            lax.cond(n > CAP, full_scan, lambda: None)
            return carry

        lax.fori_loop(0, Q_PER_TILE, per_query, jnp.int32(0))
    pltpu.sync_copy(out_v.at[pl.ds(0, Q_PER_TILE * K_MAX_OUT)],
                    out_hbm.at[pl.ds(qbase * K_MAX_OUT, Q_PER_TILE * K_MAX_OUT)])


@functools.cache
def _build_find():
    return pl.kernel(
        _find_body,
        out_type=jax.ShapeDtypeStruct((B * L * K_MAX_OUT,), jnp.float32),
        mesh=plsc.VectorSubcoreMesh(core_axis_name="c", subcore_axis_name="s"),
        compiler_params=pltpu.CompilerParams(needs_layout_passes=False),
        scratch_types=[
            pltpu.VMEM((Q_PER_TILE, 16), jnp.int32),
            pltpu.VMEM((Q_PER_TILE, 16), jnp.int32),
            pltpu.VMEM((L,), jnp.int32),
            pltpu.VMEM((L,), jnp.int32),
            pltpu.VMEM((NB,), jnp.int32),
            pltpu.VMEM((NB * CAP,), jnp.int32),
            pltpu.VMEM((NB * CAP,), jnp.int32),
            pltpu.VMEM((NB * CAP,), jnp.float32),
            pltpu.VMEM((K_MAX_OUT + 16,), jnp.float32),
            pltpu.VMEM((Q_PER_TILE * K_MAX_OUT + 16,), jnp.float32),
        ],
    )


import numpy as _np

_W_NP = _np.zeros((D, 128), _np.float32)
for _d in range(D):
    _W_NP[_d, _d // 16] = float(1 << (_d % 16))


@jax.jit
def kernel(query_up, key_up, head_idx):
    klo, khi, lor, hir = _pack(jnp.asarray(_W_NP), query_up.reshape(B * L, D),
                               key_up.reshape(B * L, D))
    out = _build_find()(klo.reshape(B * L), khi.reshape(B * L), lor, hir)
    return out.reshape(B, L, K_MAX_OUT)

# --- scband reference (transcript-rebuilt; emitter-appended) ---
"""Pipeline reference for scband-candidate-finder-78340203479204 (READ-ONLY COPY).

The authoritative reference and input builder live on the scoring server;
editing this copy changes nothing except your own understanding.
"""

import jax, jax.numpy as jnp
import numpy as np

B, L, D = 4, 2048, 64
K_MAX = 64


def setup_inputs(seed: int = 0) -> dict:
    key = jax.random.key(seed)
    k1, k2 = jax.random.split(key)
    query_up = jax.random.normal(k1, (B, L, D), dtype=jnp.float32)
    key_up = jax.random.normal(k2, (B, L, D), dtype=jnp.float32)
    return {"query_up": query_up, "key_up": key_up, "head_idx": 0}


def reference(query_up, key_up, head_idx):
    # Faithful vectorized translation of CandidateFinder.forward (state=None).
    # Wu-Manber finds keys whose binary prefix (first wu_manber_prefix_len sign
    # bits) matches the query prefix; the Trie finds keys whose FULL binary sign
    # vector matches the query. Their set intersection is exactly the set of
    # keys whose full binary vector equals the query's (full match implies the
    # prefix match). Candidate indices are emitted in ascending index order,
    # truncated to k_max, padded with -1; merge_candidate_indices_groups then
    # maps -1 -> inf, sorts, applies unique_consecutive along the last dim
    # (whole-slice column comparison), maps inf -> -1 and pads/truncates to
    # k_max, returning a float tensor.
    b, l, d = query_up.shape
    k_max = K_MAX
    qf = (query_up > 0).astype(jnp.float32)
    kf = (key_up > 0).astype(jnp.float32)
    # agreement count between binary vectors via two matmuls (compute-bound)
    agree = jnp.einsum('bld,bmd->blm', qf, kf) + jnp.einsum('bld,bmd->blm', 1.0 - qf, 1.0 - kf)
    match = agree >= (d - 0.5)  # exact full binary match (counts are exact in fp32)
    idx = jnp.arange(l, dtype=jnp.int32)
    vals = jnp.where(match, idx[None, None, :], jnp.int32(l))
    # k_max smallest matching indices in ascending order
    neg_top, _ = jax.lax.top_k(-vals, k_max)
    cand = -neg_top
    cand = jnp.where(cand == l, -1, cand)
    # merge_candidate_indices_groups on the single group
    merged = cand.astype(jnp.float32)
    merged = jnp.where(merged == -1.0, jnp.inf, merged)
    merged = jnp.sort(merged, axis=-1)
    # torch.unique_consecutive(merged, dim=-1): drop columns identical to the
    # previous column across all (B, L); emulate with static shapes by
    # compacting kept columns to the front and filling the rest with -1.
    diff = jnp.any(merged[:, :, 1:] != merged[:, :, :-1], axis=(0, 1))
    keep = jnp.concatenate([jnp.array([True]), diff])
    order = jnp.argsort(jnp.logical_not(keep), stable=True)
    g = jnp.take(merged, order, axis=-1)
    num_kept = jnp.sum(keep)
    pos = jnp.arange(k_max)
    out = jnp.where(pos[None, None, :] < num_kept, g, jnp.inf)
    out = jnp.where(jnp.isinf(out), -1.0, out)
    return out


if False:  # reference __main__ guard neutralized (emitter)
    inp = setup_inputs()
    o = reference(**inp)
    print(o.shape, o.dtype)

if __name__ == "__main__":
    import jax
    _d = setup_inputs()
    print(jax.jit(kernel)(*tuple(_d.values())))

</pallas_src>

<mosaic_0001>
#map = affine_map<(d0, d1) -> (0)>
#map1 = affine_map<(d0, d1) -> (0, 0)>
module attributes {stable_mosaic.version = 14 : i64} {
  func.func @_find_body(%arg0: i32, %arg1: i32, %arg2: memref<8192xi32, #tpu.memory_space<hbm>>, %arg3: memref<8192xi32, #tpu.memory_space<hbm>>, %arg4: memref<8192x16xi32, #tpu.memory_space<hbm>>, %arg5: memref<8192x16xi32, #tpu.memory_space<hbm>>, %arg6: memref<524288xf32, #tpu.memory_space<hbm>>, %arg7: memref<256x16xi32, #tpu.memory_space<vmem>>, %arg8: memref<256x16xi32, #tpu.memory_space<vmem>>, %arg9: memref<2048xi32, #tpu.memory_space<vmem>>, %arg10: memref<2048xi32, #tpu.memory_space<vmem>>, %arg11: memref<512xi32, #tpu.memory_space<vmem>>, %arg12: memref<8192xi32, #tpu.memory_space<vmem>>, %arg13: memref<8192xi32, #tpu.memory_space<vmem>>, %arg14: memref<8192xf32, #tpu.memory_space<vmem>>, %arg15: memref<80xf32, #tpu.memory_space<vmem>>, %arg16: memref<16400xf32, #tpu.memory_space<vmem>>) attributes {dimension_semantics = [#tpu.dimension_semantics<core_parallel>, #tpu.dimension_semantics<subcore_parallel>], iteration_bounds = array<i64: 2, 16>, scalar_prefetch = 0 : i64, scratch_operands = 10 : i64, tpu.core_type = #tpu.core_type<sc_vector_subcore>, window_params = [{transform_indices = #map}, {transform_indices = #map}, {transform_indices = #map1}, {transform_indices = #map1}, {transform_indices = #map}]} {
    %mul3A = arith.constant 2 : i32
    %mul3A_0 = arith.muli %arg1, %mul3A : i32
    %add3A = arith.addi %mul3A_0, %arg0 : i32
    %jit3A = arith.constant 8 : i32
    %div3A = arith.divsi %add3A, %jit3A : i32
    %sign3A = arith.constant 0 : i32
    %sign3A_1 = arith.cmpi sgt, %add3A, %sign3A : i32
    %sign3A_2 = arith.extui %sign3A_1 : i1 to i32
    %sign3A_3 = arith.constant 0 : i32
    %sign3A_4 = arith.cmpi slt, %add3A, %sign3A_3 : i32
    %sign3A_5 = arith.extui %sign3A_4 : i1 to i32
    %sign3A_6 = arith.subi %sign3A_2, %sign3A_5 : i32
    %sign3A_7 = arith.constant 0 : i32
    %sign3A_8 = arith.cmpi sgt, %jit3A, %sign3A_7 : i32
    %sign3A_9 = arith.extui %sign3A_8 : i1 to i32
    %sign3A_10 = arith.constant 0 : i32
    %sign3A_11 = arith.cmpi slt, %jit3A, %sign3A_10 : i32
    %sign3A_12 = arith.extui %sign3A_11 : i1 to i32
    %sign3A_13 = arith.subi %sign3A_9, %sign3A_12 : i32
    %ne3A = arith.cmpi ne, %sign3A_6, %sign3A_13 : i32
    %rem3A = arith.remsi %add3A, %jit3A : i32
    %ne3A_14 = arith.constant 0 : i32
    %ne3A_15 = arith.cmpi ne, %rem3A, %ne3A_14 : i32
    %and3A = arith.andi %ne3A, %ne3A_15 : i1
    %sub3A = arith.constant 1 : i32
    %sub3A_16 = arith.subi %div3A, %sub3A : i32
    %select_n3A = arith.select %and3A, %sub3A_16, %div3A : i32
    %jit3A_17 = arith.constant 8 : i32
    %eq3A = arith.constant 0 : i32
    %eq3A_18 = arith.cmpi eq, %jit3A_17, %eq3A : i32
    %jit3A_19 = arith.constant 1 : i32
    %select_n3A_20 = arith.select %eq3A_18, %jit3A_19, %jit3A_17 : i32
    %rem3A_21 = arith.remsi %add3A, %select_n3A_20 : i32
    %ne3A_22 = arith.constant 0 : i32
    %ne3A_23 = arith.cmpi ne, %rem3A_21, %ne3A_22 : i32
    %lt3A = arith.constant 0 : i32
    %lt3A_24 = arith.cmpi slt, %rem3A_21, %lt3A : i32
    %lt3A_25 = arith.constant 0 : i32
    %lt3A_26 = arith.cmpi slt, %select_n3A_20, %lt3A_25 : i32
    %ne3A_27 = arith.xori %lt3A_24, %lt3A_26 : i1
    %and3A_28 = arith.andi %ne3A_27, %ne3A_23 : i1
    %add3A_29 = arith.addi %rem3A_21, %select_n3A_20 : i32
    %select_n3A_30 = arith.select %and3A_28, %add3A_29, %rem3A_21 : i32
    %mul3A_31 = arith.constant 2048 : i32
    %mul3A_32 = arith.muli %select_n3A, %mul3A_31 : i32
    %mul3A_33 = arith.constant 256 : i32
    %mul3A_34 = arith.muli %select_n3A_30, %mul3A_33 : i32
    %add3A_35 = arith.addi %mul3A_32, %mul3A_34 : i32
    %mul3A_36 = arith.constant 2048 : i32
    %mul3A_37 = arith.muli %select_n3A, %mul3A_36 : i32
    "tpu.region"() ({
      %run_scoped3A = tpu.sem_alloc : memref<!tpu.dma_semaphore, #tpu.memory_space<semaphore_mem>>
      %dma_start3A = arith.constant 0 : i32
      %dma_start3A_66 = tpu.memref_slice %arg4[%add3A_35, %dma_start3A] : memref<8192x16xi32, #tpu.memory_space<hbm>> -> memref<256x16xi32, #tpu.memory_space<hbm>>
      %dma_start3A_67 = arith.constant 0 : i32
      %dma_start3A_68 = tpu.memref_slice %arg4[%add3A_35, %dma_start3A_67] : memref<8192x16xi32, #tpu.memory_space<hbm>> -> memref<256x16xi32, #tpu.memory_space<hbm>>
      tpu.enqueue_dma source(%dma_start3A_68 : memref<256x16xi32, #tpu.memory_space<hbm>>) target(%arg7 : memref<256x16xi32, #tpu.memory_space<vmem>>) target_semaphore(%run_scoped3A : memref<!tpu.dma_semaphore, #tpu.memory_space<semaphore_mem>>)
      %dma_wait3A = arith.constant 0 : i32
      %dma_wait3A_69 = tpu.memref_slice %arg4[%add3A_35, %dma_wait3A] : memref<8192x16xi32, #tpu.memory_space<hbm>> -> memref<256x16xi32, #tpu.memory_space<hbm>>
      %dma_wait3A_70 = arith.constant 0 : i32
      %dma_wait3A_71 = tpu.memref_slice %arg4[%add3A_35, %dma_wait3A_70] : memref<8192x16xi32, #tpu.memory_space<hbm>> -> memref<256x16xi32, #tpu.memory_space<hbm>>
      tpu.wait_dma2 semaphore(%run_scoped3A : memref<!tpu.dma_semaphore, #tpu.memory_space<semaphore_mem>>) src(%dma_wait3A_71 : memref<256x16xi32, #tpu.memory_space<hbm>>) dst(%arg7 : memref<256x16xi32, #tpu.memory_space<vmem>>)
      tpu.yield
    }) : () -> ()
    "tpu.region"() ({
      %run_scoped3A = tpu.sem_alloc : memref<!tpu.dma_semaphore, #tpu.memory_space<semaphore_mem>>
      %dma_start3A = arith.constant 0 : i32
      %dma_start3A_66 = tpu.memref_slice %arg5[%add3A_35, %dma_start3A] : memref<8192x16xi32, #tpu.memory_space<hbm>> -> memref<256x16xi32, #tpu.memory_space<hbm>>
      %dma_start3A_67 = arith.constant 0 : i32
      %dma_start3A_68 = tpu.memref_slice %arg5[%add3A_35, %dma_start3A_67] : memref<8192x16xi32, #tpu.memory_space<hbm>> -> memref<256x16xi32, #tpu.memory_space<hbm>>
      tpu.enqueue_dma source(%dma_start3A_68 : memref<256x16xi32, #tpu.memory_space<hbm>>) target(%arg8 : memref<256x16xi32, #tpu.memory_space<vmem>>) target_semaphore(%run_scoped3A : memref<!tpu.dma_semaphore, #tpu.memory_space<semaphore_mem>>)
      %dma_wait3A = arith.constant 0 : i32
      %dma_wait3A_69 = tpu.memref_slice %arg5[%add3A_35, %dma_wait3A] : memref<8192x16xi32, #tpu.memory_space<hbm>> -> memref<256x16xi32, #tpu.memory_space<hbm>>
      %dma_wait3A_70 = arith.constant 0 : i32
      %dma_wait3A_71 = tpu.memref_slice %arg5[%add3A_35, %dma_wait3A_70] : memref<8192x16xi32, #tpu.memory_space<hbm>> -> memref<256x16xi32, #tpu.memory_space<hbm>>
      tpu.wait_dma2 semaphore(%run_scoped3A : memref<!tpu.dma_semaphore, #tpu.memory_space<semaphore_mem>>) src(%dma_wait3A_71 : memref<256x16xi32, #tpu.memory_space<hbm>>) dst(%arg8 : memref<256x16xi32, #tpu.memory_space<vmem>>)
      tpu.yield
    }) : () -> ()
    "tpu.region"() ({
      %run_scoped3A = tpu.sem_alloc : memref<!tpu.dma_semaphore, #tpu.memory_space<semaphore_mem>>
      %dma_start3A = tpu.memref_slice %arg2[%mul3A_37] : memref<8192xi32, #tpu.memory_space<hbm>> -> memref<2048xi32, #tpu.memory_space<hbm>>
      %dma_start3A_66 = tpu.memref_slice %arg2[%mul3A_37] : memref<8192xi32, #tpu.memory_space<hbm>> -> memref<2048xi32, #tpu.memory_space<hbm>>
      tpu.enqueue_dma source(%dma_start3A_66 : memref<2048xi32, #tpu.memory_space<hbm>>) target(%arg9 : memref<2048xi32, #tpu.memory_space<vmem>>) target_semaphore(%run_scoped3A : memref<!tpu.dma_semaphore, #tpu.memory_space<semaphore_mem>>)
      %dma_wait3A = tpu.memref_slice %arg2[%mul3A_37] : memref<8192xi32, #tpu.memory_space<hbm>> -> memref<2048xi32, #tpu.memory_space<hbm>>
      %dma_wait3A_67 = tpu.memref_slice %arg2[%mul3A_37] : memref<8192xi32, #tpu.memory_space<hbm>> -> memref<2048xi32, #tpu.memory_space<hbm>>
      tpu.wait_dma2 semaphore(%run_scoped3A : memref<!tpu.dma_semaphore, #tpu.memory_space<semaphore_mem>>) src(%dma_wait3A_67 : memref<2048xi32, #tpu.memory_space<hbm>>) dst(%arg9 : memref<2048xi32, #tpu.memory_space<vmem>>)
      tpu.yield
    }) : () -> ()
    "tpu.region"() ({
      %run_scoped3A = tpu.sem_alloc : memref<!tpu.dma_semaphore, #tpu.memory_space<semaphore_mem>>
      %dma_start3A = tpu.memref_slice %arg3[%mul3A_37] : memref<8192xi32, #tpu.memory_space<hbm>> -> memref<2048xi32, #tpu.memory_space<hbm>>
      %dma_start3A_66 = tpu.memref_slice %arg3[%mul3A_37] : memref<8192xi32, #tpu.memory_space<hbm>> -> memref<2048xi32, #tpu.memory_space<hbm>>
      tpu.enqueue_dma source(%dma_start3A_66 : memref<2048xi32, #tpu.memory_space<hbm>>) target(%arg10 : memref<2048xi32, #tpu.memory_space<vmem>>) target_semaphore(%run_scoped3A : memref<!tpu.dma_semaphore, #tpu.memory_space<semaphore_mem>>)
      %dma_wait3A = tpu.memref_slice %arg3[%mul3A_37] : memref<8192xi32, #tpu.memory_space<hbm>> -> memref<2048xi32, #tpu.memory_space<hbm>>
      %dma_wait3A_67 = tpu.memref_slice %arg3[%mul3A_37] : memref<8192xi32, #tpu.memory_space<hbm>> -> memref<2048xi32, #tpu.memory_space<hbm>>
      tpu.wait_dma2 semaphore(%run_scoped3A : memref<!tpu.dma_semaphore, #tpu.memory_space<semaphore_mem>>) src(%dma_wait3A_67 : memref<2048xi32, #tpu.memory_space<hbm>>) dst(%arg10 : memref<2048xi32, #tpu.memory_space<vmem>>)
      tpu.yield
    }) : () -> ()
    %iota3A = tpu.iota {dimensions = array<i32: 0>} : vector<16xi32>
    %broadcast_in_dim3A = arith.constant -1.000000e+00 : f32
    %broadcast_in_dim3A_38 = vector.broadcast %broadcast_in_dim3A : f32 to vector<16xf32>
    %broadcast_in_dim3A_39 = arith.constant 0 : i32
    %broadcast_in_dim3A_40 = vector.broadcast %broadcast_in_dim3A_39 : i32 to vector<16xi32>
    %scan3A = arith.constant 0 : i32
    %scan3A_41 = arith.constant 0 : i32
    %scan3A_42 = arith.constant 32 : i32
    %scan3A_43 = arith.addi %scan3A_41, %scan3A_42 : i32
    %scan3A_44 = arith.constant 1 : i32
    scf.for %scan3A_66 = %scan3A_41 to %scan3A_43 step %scan3A_44  : i32 {
      %mul3A_67 = arith.constant 16 : i32
      %mul3A_68 = arith.muli %scan3A_66, %mul3A_67 : i32
      %swap3A = arith.index_cast %mul3A_68 : i32 to index
      %swap3A_69 = tpu.vector_load %arg11[%swap3A] {strides = array<i32>} : memref<512xi32, #tpu.memory_space<vmem>>, vector<16xi32>,
      tpu.vector_store %arg11[%swap3A], %broadcast_in_dim3A_40 {strides = array<i32>} : memref<512xi32, #tpu.memory_space<vmem>>, vector<16xi32>,
    }
    %scan3A_45 = arith.constant 32 : i32
    %scan3A_46 = arith.constant 0 : i32
    %scan3A_47 = arith.constant 128 : i32
    %scan3A_48 = arith.addi %scan3A_46, %scan3A_47 : i32
    %scan3A_49 = arith.constant 1 : i32
    %scan3A_50 = scf.for %scan3A_66 = %scan3A_46 to %scan3A_48 step %scan3A_49 iter_args(%scan3A_67 = %broadcast_in_dim3A_40) -> (vector<16xi32>)  : i32 {
      %mul3A_68 = arith.constant 16 : i32
      %mul3A_69 = arith.muli %scan3A_66, %mul3A_68 : i32
      %get3A = arith.index_cast %mul3A_69 : i32 to index
      %get3A_70 = tpu.vector_load %arg9[%get3A] {strides = array<i32>} : memref<2048xi32, #tpu.memory_space<vmem>>, vector<16xi32>,
      %mul3A_71 = arith.constant 16 : i32
      %mul3A_72 = arith.muli %scan3A_66, %mul3A_71 : i32
      %get3A_73 = arith.index_cast %mul3A_72 : i32 to index
      %get3A_74 = tpu.vector_load %arg10[%get3A_73] {strides = array<i32>} : memref<2048xi32, #tpu.memory_space<vmem>>, vector<16xi32>,
      %and3A_75 = arith.constant 511 : i32
      %and3A_76 = vector.broadcast %and3A_75 : i32 to vector<16xi32>
      %and3A_77 = arith.andi %get3A_70, %and3A_76 : vector<16xi32>
      %broadcast_in_dim3A_78 = arith.constant true
      %broadcast_in_dim3A_79 = vector.broadcast %broadcast_in_dim3A_78 : i1 to vector<16xi1>
      %unique3A, %unique3A_80 = tpu.scan_count mask(%broadcast_in_dim3A_79 : vector<16xi1>) value(%and3A_77 : vector<16xi32>) : vector<16xi1>, vector<16xi32>
      %gather3A = tpu.vector_load_idx %arg11[%and3A_77] : memref<512xi32, #tpu.memory_space<vmem>>[vector<16xi32>], vector<16xi32>,
      %add3A_81 = arith.addi %gather3A, %unique3A_80 : vector<16xi32>
      %sub3A_82 = arith.constant 1 : i32
      %sub3A_83 = vector.broadcast %sub3A_82 : i32 to vector<16xi32>
      %sub3A_84 = arith.subi %add3A_81, %sub3A_83 : vector<16xi32>
      %lt3A_85 = arith.constant 16 : i32
      %lt3A_86 = vector.broadcast %lt3A_85 : i32 to vector<16xi32>
      %lt3A_87 = arith.cmpi slt, %sub3A_84, %lt3A_86 : vector<16xi32>
      %mul3A_88 = arith.constant 16 : i32
      %mul3A_89 = vector.broadcast %mul3A_88 : i32 to vector<16xi32>
      %mul3A_90 = arith.muli %and3A_77, %mul3A_89 : vector<16xi32>
      %min3A = arith.constant 15 : i32
      %min3A_91 = vector.broadcast %min3A : i32 to vector<16xi32>
      %min3A_92 = arith.minsi %sub3A_84, %min3A_91 : vector<16xi32>
      %add3A_93 = arith.addi %mul3A_90, %min3A_92 : vector<16xi32>
      tpu.vector_store_idx %arg12[%add3A_93], %get3A_70 masked %lt3A_87 : memref<8192xi32, #tpu.memory_space<vmem>>[vector<16xi32>], vector<16xi32>, vector<16xi1>
      tpu.vector_store_idx %arg13[%add3A_93], %get3A_74 masked %lt3A_87 : memref<8192xi32, #tpu.memory_space<vmem>>[vector<16xi32>], vector<16xi32>, vector<16xi1>
      %mul3A_94 = arith.constant 16 : i32
      %mul3A_95 = arith.muli %scan3A_66, %mul3A_94 : i32
      %add3A_96 = vector.broadcast %mul3A_95 : i32 to vector<16xi32>
      %add3A_97 = arith.addi %iota3A, %add3A_96 : vector<16xi32>
      %convert_element_type3A_98 = arith.sitofp %add3A_97 : vector<16xi32> to vector<16xf32>
      tpu.vector_store_idx %arg14[%add3A_93], %convert_element_type3A_98 masked %lt3A_87 : memref<8192xf32, #tpu.memory_space<vmem>>[vector<16xi32>], vector<16xf32>, vector<16xi1>
      tpu.vector_store_idx %arg11[%and3A_77], %unique3A_80 masked %unique3A {add = true} : memref<512xi32, #tpu.memory_space<vmem>>[vector<16xi32>], vector<16xi32>, vector<16xi1>
      %jit3A_99 = arith.constant 0 : i32
      %jit3A_100 = arith.constant 1 : i32
      %broadcast_in_dim3A_101 = vector.broadcast %jit3A_99 : i32 to vector<16xi32>
      %broadcast_in_dim3A_102 = vector.broadcast %jit3A_100 : i32 to vector<16xi32>
      %select_n3A_103 = arith.select %lt3A_87, %broadcast_in_dim3A_101, %broadcast_in_dim3A_102 : vector<16xi1>, vector<16xi32>
      %or3A = arith.ori %scan3A_67, %select_n3A_103 : vector<16xi32>
      scf.yield %or3A : vector<16xi32>
    }
    %scan3A_51 = arith.constant 128 : i32
    %gt3A = arith.constant 0 : i32
    %gt3A_52 = vector.broadcast %gt3A : i32 to vector<16xi32>
    %gt3A_53 = arith.cmpi sgt, %scan3A_50, %gt3A_52 : vector<16xi32>
    %all_reduce_population_count3A = tpu.all_reduce %gt3A_53 {dim = 0 : i64, kind = #tpu.reduction_kind<sum>} : vector<16xi1> -> vector<16xi32>
    %slice3A = vector.extract_strided_slice %all_reduce_population_count3A {offsets = [0], sizes = [1], strides = [1]} : vector<16xi32> to vector<1xi32>
    %squeeze3A = vector.extract %slice3A[0] : i32 from vector<1xi32>
    %parallel_loop3A = arith.constant 0 : i32
    %parallel_loop3A_54 = arith.constant 1025 : i32
    %parallel_loop3A_55 = arith.constant 1 : i32
    scf.for %parallel_loop3A_66 = %parallel_loop3A to %parallel_loop3A_54 step %parallel_loop3A_55  : i32 {
      %parallel_loop3A_67 = arith.constant 16 : i32
      %parallel_loop3A_68 = arith.muli %parallel_loop3A_66, %parallel_loop3A_67 : i32
      %parallel_loop3A_69 = arith.index_cast %parallel_loop3A_68 : i32 to index
      %parallel_loop3A_70 = tpu.vector_load %arg16[%parallel_loop3A_69] {strides = array<i32>} : memref<16400xf32, #tpu.memory_space<vmem>>, vector<16xf32>,
      tpu.vector_store %arg16[%parallel_loop3A_69], %broadcast_in_dim3A_38 {strides = array<i32>} : memref<16400xf32, #tpu.memory_space<vmem>>, vector<16xf32>,
    } {sc.loop_unroll_factor = 8 : i64, sc.parallel_access}
    %broadcast_in_dim3A_56 = arith.constant 16 : i32
    %broadcast_in_dim3A_57 = vector.broadcast %broadcast_in_dim3A_56 : i32 to vector<16xi32>
    %parallel_loop3A_58 = arith.constant 0 : i32
    %parallel_loop3A_59 = arith.constant 256 : i32
    %parallel_loop3A_60 = arith.constant 1 : i32
    scf.for %parallel_loop3A_66 = %parallel_loop3A_58 to %parallel_loop3A_59 step %parallel_loop3A_60  : i32 {
      %parallel_loop3A_67 = arith.index_cast %parallel_loop3A_66 : i32 to index
      %parallel_loop3A_68 = arith.constant 0 : index
      %parallel_loop3A_69 = tpu.vector_load %arg7[%parallel_loop3A_67, %parallel_loop3A_68] {strides = array<i32>} : memref<256x16xi32, #tpu.memory_space<vmem>>, vector<16xi32>,
      %parallel_loop3A_70 = arith.index_cast %parallel_loop3A_66 : i32 to index
      %parallel_loop3A_71 = arith.constant 0 : index
      %parallel_loop3A_72 = tpu.vector_load %arg8[%parallel_loop3A_70, %parallel_loop3A_71] {strides = array<i32>} : memref<256x16xi32, #tpu.memory_space<vmem>>, vector<16xi32>,
      %parallel_loop3A_73 = arith.constant 511 : i32
      %parallel_loop3A_74 = vector.broadcast %parallel_loop3A_73 : i32 to vector<16xi32>
      %parallel_loop3A_75 = arith.andi %parallel_loop3A_69, %parallel_loop3A_74 : vector<16xi32>
      %parallel_loop3A_76 = tpu.vector_load_idx %arg11[%parallel_loop3A_75] : memref<512xi32, #tpu.memory_space<vmem>>[vector<16xi32>], vector<16xi32>,
      %parallel_loop3A_77 = arith.constant 16 : i32
      %parallel_loop3A_78 = vector.broadcast %parallel_loop3A_77 : i32 to vector<16xi32>
      %parallel_loop3A_79 = arith.muli %parallel_loop3A_75, %parallel_loop3A_78 : vector<16xi32>
      %parallel_loop3A_80 = arith.addi %parallel_loop3A_79, %iota3A : vector<16xi32>
      %parallel_loop3A_81 = tpu.vector_load_idx %arg12[%parallel_loop3A_80] : memref<8192xi32, #tpu.memory_space<vmem>>[vector<16xi32>], vector<16xi32>,
      %parallel_loop3A_82 = tpu.vector_load_idx %arg13[%parallel_loop3A_80] : memref<8192xi32, #tpu.memory_space<vmem>>[vector<16xi32>], vector<16xi32>,
      %parallel_loop3A_83 = tpu.vector_load_idx %arg14[%parallel_loop3A_80] : memref<8192xf32, #tpu.memory_space<vmem>>[vector<16xi32>], vector<16xf32>,
      %parallel_loop3A_84 = arith.cmpi eq, %parallel_loop3A_81, %parallel_loop3A_69 : vector<16xi32>
      %parallel_loop3A_85 = arith.cmpi eq, %parallel_loop3A_82, %parallel_loop3A_72 : vector<16xi32>
      %parallel_loop3A_86 = arith.andi %parallel_loop3A_84, %parallel_loop3A_85 : vector<16xi1>
      %parallel_loop3A_87 = arith.cmpi slt, %iota3A, %parallel_loop3A_76 : vector<16xi32>
      %parallel_loop3A_88 = arith.andi %parallel_loop3A_86, %parallel_loop3A_87 : vector<16xi1>
      %parallel_loop3A_89 = arith.cmpi sle, %parallel_loop3A_76, %broadcast_in_dim3A_57 : vector<16xi32>
      %parallel_loop3A_90 = arith.andi %parallel_loop3A_88, %parallel_loop3A_89 : vector<16xi1>
      %parallel_loop3A_91 = arith.constant 64 : i32
      %parallel_loop3A_92 = arith.muli %parallel_loop3A_66, %parallel_loop3A_91 : i32
      %parallel_loop3A_93 = arith.index_cast %parallel_loop3A_92 : i32 to index
      %parallel_loop3A_94 = tpu.vector_load %arg16[%parallel_loop3A_93] masked %parallel_loop3A_90 {strides = array<i32>} : memref<16400xf32, #tpu.memory_space<vmem>>, vector<16xf32>, vector<16xi1>
      tpu.vector_store %arg16[%parallel_loop3A_93], %parallel_loop3A_83 masked %parallel_loop3A_90 {strides = array<i32>} : memref<16400xf32, #tpu.memory_space<vmem>>, vector<16xf32>, vector<16xi1>
    } {sc.loop_unroll_factor = 8 : i64, sc.parallel_access}
    %gt3A_61 = arith.constant 0 : i32
    %gt3A_62 = arith.cmpi sgt, %squeeze3A, %gt3A_61 : i32
    %convert_element_type3A = arith.extui %gt3A_62 : i1 to i32
    %cond3A = arith.constant 0 : i32
    %cond3A_63 = arith.cmpi ne, %convert_element_type3A, %cond3A : i32
    scf.if %cond3A_63 {
      %scan3A_66 = arith.constant 0 : i32
      %scan3A_67 = arith.constant 0 : i32
      %scan3A_68 = arith.constant 256 : i32
      %scan3A_69 = arith.addi %scan3A_67, %scan3A_68 : i32
      %scan3A_70 = arith.constant 1 : i32
      scf.for %scan3A_72 = %scan3A_67 to %scan3A_69 step %scan3A_70  : i32 {
        %get3A = arith.index_cast %scan3A_72 : i32 to index
        %get3A_73 = arith.constant 0 : index
        %get3A_74 = tpu.vector_load %arg7[%get3A, %get3A_73] {strides = array<i32>} : memref<256x16xi32, #tpu.memory_space<vmem>>, vector<16xi32>,
        %get3A_75 = arith.index_cast %scan3A_72 : i32 to index
        %get3A_76 = arith.constant 0 : index
        %get3A_77 = tpu.vector_load %arg8[%get3A_75, %get3A_76] {strides = array<i32>} : memref<256x16xi32, #tpu.memory_space<vmem>>, vector<16xi32>,
        %and3A_78 = arith.constant 511 : i32
        %and3A_79 = vector.broadcast %and3A_78 : i32 to vector<16xi32>
        %and3A_80 = arith.andi %get3A_74, %and3A_79 : vector<16xi32>
        %gather3A = tpu.vector_load_idx %arg11[%and3A_80] : memref<512xi32, #tpu.memory_space<vmem>>[vector<16xi32>], vector<16xi32>,
        %slice3A_81 = vector.extract_strided_slice %gather3A {offsets = [0], sizes = [1], strides = [1]} : vector<16xi32> to vector<1xi32>
        %squeeze3A_82 = vector.extract %slice3A_81[0] : i32 from vector<1xi32>
        %gt3A_83 = arith.constant 16 : i32
        %gt3A_84 = arith.cmpi sgt, %squeeze3A_82, %gt3A_83 : i32
        %convert_element_type3A_85 = arith.extui %gt3A_84 : i1 to i32
        %cond3A_86 = arith.constant 0 : i32
        %cond3A_87 = arith.cmpi ne, %convert_element_type3A_85, %cond3A_86 : i32
        scf.if %cond3A_87 {
          %swap3A = arith.constant 0 : index
          %swap3A_88 = tpu.vector_load %arg15[%swap3A] {strides = array<i32>} : memref<80xf32, #tpu.memory_space<vmem>>, vector<16xf32>,
          tpu.vector_store %arg15[%swap3A], %broadcast_in_dim3A_38 {strides = array<i32>} : memref<80xf32, #tpu.memory_space<vmem>>, vector<16xf32>,
          %swap3A_89 = arith.constant 16 : index
          %swap3A_90 = tpu.vector_load %arg15[%swap3A_89] {strides = array<i32>} : memref<80xf32, #tpu.memory_space<vmem>>, vector<16xf32>,
          tpu.vector_store %arg15[%swap3A_89], %broadcast_in_dim3A_38 {strides = array<i32>} : memref<80xf32, #tpu.memory_space<vmem>>, vector<16xf32>,
          %swap3A_91 = arith.constant 32 : index
          %swap3A_92 = tpu.vector_load %arg15[%swap3A_91] {strides = array<i32>} : memref<80xf32, #tpu.memory_space<vmem>>, vector<16xf32>,
          tpu.vector_store %arg15[%swap3A_91], %broadcast_in_dim3A_38 {strides = array<i32>} : memref<80xf32, #tpu.memory_space<vmem>>, vector<16xf32>,
          %swap3A_93 = arith.constant 48 : index
          %swap3A_94 = tpu.vector_load %arg15[%swap3A_93] {strides = array<i32>} : memref<80xf32, #tpu.memory_space<vmem>>, vector<16xf32>,
          tpu.vector_store %arg15[%swap3A_93], %broadcast_in_dim3A_38 {strides = array<i32>} : memref<80xf32, #tpu.memory_space<vmem>>, vector<16xf32>,
          %swap3A_95 = arith.constant 64 : index
          %swap3A_96 = tpu.vector_load %arg15[%swap3A_95] {strides = array<i32>} : memref<80xf32, #tpu.memory_space<vmem>>, vector<16xf32>,
          tpu.vector_store %arg15[%swap3A_95], %broadcast_in_dim3A_38 {strides = array<i32>} : memref<80xf32, #tpu.memory_space<vmem>>, vector<16xf32>,
          %scan3A_97 = arith.constant 0 : i32
          %scan3A_98 = arith.constant 0 : i32
          %scan3A_99 = arith.constant 128 : i32
          %scan3A_100 = arith.addi %scan3A_98, %scan3A_99 : i32
          %scan3A_101 = arith.constant 1 : i32
          %scan3A_102 = scf.for %scan3A_136 = %scan3A_98 to %scan3A_100 step %scan3A_101 iter_args(%scan3A_137 = %scan3A_97) -> (i32)  : i32 {
            %mul3A_138 = arith.constant 16 : i32
            %mul3A_139 = arith.muli %scan3A_136, %mul3A_138 : i32
            %get3A_140 = arith.index_cast %mul3A_139 : i32 to index
            %get3A_141 = tpu.vector_load %arg9[%get3A_140] {strides = array<i32>} : memref<2048xi32, #tpu.memory_space<vmem>>, vector<16xi32>,
            %mul3A_142 = arith.constant 16 : i32
            %mul3A_143 = arith.muli %scan3A_136, %mul3A_142 : i32
            %get3A_144 = arith.index_cast %mul3A_143 : i32 to index
            %get3A_145 = tpu.vector_load %arg10[%get3A_144] {strides = array<i32>} : memref<2048xi32, #tpu.memory_space<vmem>>, vector<16xi32>,
            %eq3A_146 = arith.cmpi eq, %get3A_141, %get3A_74 : vector<16xi32>
            %eq3A_147 = arith.cmpi eq, %get3A_145, %get3A_77 : vector<16xi32>
            %and3A_148 = arith.andi %eq3A_146, %eq3A_147 : vector<16xi1>
            %all_reduce_population_count3A_149 = tpu.all_reduce %and3A_148 {dim = 0 : i64, kind = #tpu.reduction_kind<sum>} : vector<16xi1> -> vector<16xi32>
            %slice3A_150 = vector.extract_strided_slice %all_reduce_population_count3A_149 {offsets = [0], sizes = [1], strides = [1]} : vector<16xi32> to vector<1xi32>
            %squeeze3A_151 = vector.extract %slice3A_150[0] : i32 from vector<1xi32>
            %gt3A_152 = arith.constant 0 : i32
            %gt3A_153 = arith.cmpi sgt, %squeeze3A_151, %gt3A_152 : i32
            %convert_element_type3A_154 = arith.extui %gt3A_153 : i1 to i32
            %cond3A_155 = arith.constant 0 : i32
            %cond3A_156 = arith.cmpi ne, %convert_element_type3A_154, %cond3A_155 : i32
            %cond3A_157 = scf.if %cond3A_156 -> (i32) {
              %mul3A_158 = arith.constant 16 : i32
              %mul3A_159 = arith.muli %scan3A_136, %mul3A_158 : i32
              %add3A_160 = vector.broadcast %mul3A_159 : i32 to vector<16xi32>
              %add3A_161 = arith.addi %iota3A, %add3A_160 : vector<16xi32>
              %convert_element_type3A_162 = arith.sitofp %add3A_161 : vector<16xi32> to vector<16xf32>
              %min3A = arith.constant 64 : i32
              %min3A_163 = arith.minsi %scan3A_137, %min3A : i32
              %swap3A_164 = arith.index_cast %min3A_163 : i32 to index
              %swap3A_165 = tpu.vector_load %arg15[%swap3A_164] masked %and3A_148 {strides = array<i32>} : memref<80xf32, #tpu.memory_space<vmem>>, vector<16xf32>, vector<16xi1>
              tpu.vector_store %arg15[%swap3A_164], %convert_element_type3A_162 masked %and3A_148 {strides = array<i32>} : memref<80xf32, #tpu.memory_space<vmem>>, vector<16xf32>, vector<16xi1>
              %add3A_166 = arith.addi %scan3A_137, %squeeze3A_151 : i32
              scf.yield %add3A_166 : i32
            } else {
              scf.yield %scan3A_137 : i32
            }
            scf.yield %cond3A_157 : i32
          }
          %scan3A_103 = arith.constant 128 : i32
          %get3A_104 = arith.constant 0 : index
          %get3A_105 = tpu.vector_load %arg15[%get3A_104] {strides = array<i32>} : memref<80xf32, #tpu.memory_space<vmem>>, vector<16xf32>,
          %mul3A_106 = arith.constant 64 : i32
          %mul3A_107 = arith.muli %scan3A_72, %mul3A_106 : i32
          %add3A_108 = arith.constant 0 : i32
          %add3A_109 = arith.addi %mul3A_107, %add3A_108 : i32
          %swap3A_110 = arith.index_cast %add3A_109 : i32 to index
          %swap3A_111 = tpu.vector_load %arg16[%swap3A_110] {strides = array<i32>} : memref<16400xf32, #tpu.memory_space<vmem>>, vector<16xf32>,
          tpu.vector_store %arg16[%swap3A_110], %get3A_105 {strides = array<i32>} : memref<16400xf32, #tpu.memory_space<vmem>>, vector<16xf32>,
          %get3A_112 = arith.constant 16 : index
          %get3A_113 = tpu.vector_load %arg15[%get3A_112] {strides = array<i32>} : memref<80xf32, #tpu.memory_space<vmem>>, vector<16xf32>,
          %mul3A_114 = arith.constant 64 : i32
          %mul3A_115 = arith.muli %scan3A_72, %mul3A_114 : i32
          %add3A_116 = arith.constant 16 : i32
          %add3A_117 = arith.addi %mul3A_115, %add3A_116 : i32
          %swap3A_118 = arith.index_cast %add3A_117 : i32 to index
          %swap3A_119 = tpu.vector_load %arg16[%swap3A_118] {strides = array<i32>} : memref<16400xf32, #tpu.memory_space<vmem>>, vector<16xf32>,
          tpu.vector_store %arg16[%swap3A_118], %get3A_113 {strides = array<i32>} : memref<16400xf32, #tpu.memory_space<vmem>>, vector<16xf32>,
          %get3A_120 = arith.constant 32 : index
          %get3A_121 = tpu.vector_load %arg15[%get3A_120] {strides = array<i32>} : memref<80xf32, #tpu.memory_space<vmem>>, vector<16xf32>,
          %mul3A_122 = arith.constant 64 : i32
          %mul3A_123 = arith.muli %scan3A_72, %mul3A_122 : i32
          %add3A_124 = arith.constant 32 : i32
          %add3A_125 = arith.addi %mul3A_123, %add3A_124 : i32
          %swap3A_126 = arith.index_cast %add3A_125 : i32 to index
          %swap3A_127 = tpu.vector_load %arg16[%swap3A_126] {strides = array<i32>} : memref<16400xf32, #tpu.memory_space<vmem>>, vector<16xf32>,
          tpu.vector_store %arg16[%swap3A_126], %get3A_121 {strides = array<i32>} : memref<16400xf32, #tpu.memory_space<vmem>>, vector<16xf32>,
          %get3A_128 = arith.constant 48 : index
          %get3A_129 = tpu.vector_load %arg15[%get3A_128] {strides = array<i32>} : memref<80xf32, #tpu.memory_space<vmem>>, vector<16xf32>,
          %mul3A_130 = arith.constant 64 : i32
          %mul3A_131 = arith.muli %scan3A_72, %mul3A_130 : i32
          %add3A_132 = arith.constant 48 : i32
          %add3A_133 = arith.addi %mul3A_131, %add3A_132 : i32
          %swap3A_134 = arith.index_cast %add3A_133 : i32 to index
          %swap3A_135 = tpu.vector_load %arg16[%swap3A_134] {strides = array<i32>} : memref<16400xf32, #tpu.memory_space<vmem>>, vector<16xf32>,
          tpu.vector_store %arg16[%swap3A_134], %get3A_129 {strides = array<i32>} : memref<16400xf32, #tpu.memory_space<vmem>>, vector<16xf32>,
        } else {
        }
      }
      %scan3A_71 = arith.constant 256 : i32
    } else {
    }
    %mul3A_64 = arith.constant 64 : i32
    %mul3A_65 = arith.muli %add3A_35, %mul3A_64 : i32
    "tpu.region"() ({
      %run_scoped3A = tpu.sem_alloc : memref<!tpu.dma_semaphore, #tpu.memory_space<semaphore_mem>>
      %dma_start3A = arith.constant 0 : i32
      %dma_start3A_66 = tpu.memref_slice %arg16[%dma_start3A] : memref<16400xf32, #tpu.memory_space<vmem>> -> memref<16384xf32, #tpu.memory_space<vmem>>
      %dma_start3A_67 = tpu.memref_slice %arg6[%mul3A_65] : memref<524288xf32, #tpu.memory_space<hbm>> -> memref<16384xf32, #tpu.memory_space<hbm>>
      %dma_start3A_68 = tpu.memref_slice %arg6[%mul3A_65] : memref<524288xf32, #tpu.memory_space<hbm>> -> memref<16384xf32, #tpu.memory_space<hbm>>
      %dma_start3A_69 = arith.constant 0 : i32
      %dma_start3A_70 = tpu.memref_slice %arg16[%dma_start3A_69] : memref<16400xf32, #tpu.memory_space<vmem>> -> memref<16384xf32, #tpu.memory_space<vmem>>
      tpu.enqueue_dma source(%dma_start3A_70 : memref<16384xf32, #tpu.memory_space<vmem>>) target(%dma_start3A_68 : memref<16384xf32, #tpu.memory_space<hbm>>) target_semaphore(%run_scoped3A : memref<!tpu.dma_semaphore, #tpu.memory_space<semaphore_mem>>)
      %dma_wait3A = arith.constant 0 : i32
      %dma_wait3A_71 = tpu.memref_slice %arg16[%dma_wait3A] : memref<16400xf32, #tpu.memory_space<vmem>> -> memref<16384xf32, #tpu.memory_space<vmem>>
      %dma_wait3A_72 = tpu.memref_slice %arg6[%mul3A_65] : memref<524288xf32, #tpu.memory_space<hbm>> -> memref<16384xf32, #tpu.memory_space<hbm>>
      %dma_wait3A_73 = tpu.memref_slice %arg6[%mul3A_65] : memref<524288xf32, #tpu.memory_space<hbm>> -> memref<16384xf32, #tpu.memory_space<hbm>>
      %dma_wait3A_74 = arith.constant 0 : i32
      %dma_wait3A_75 = tpu.memref_slice %arg16[%dma_wait3A_74] : memref<16400xf32, #tpu.memory_space<vmem>> -> memref<16384xf32, #tpu.memory_space<vmem>>
      tpu.wait_dma2 semaphore(%run_scoped3A : memref<!tpu.dma_semaphore, #tpu.memory_space<semaphore_mem>>) src(%dma_wait3A_75 : memref<16384xf32, #tpu.memory_space<vmem>>) dst(%dma_wait3A_73 : memref<16384xf32, #tpu.memory_space<hbm>>)
      tpu.yield
    }) : () -> ()
    return
  }
}

module attributes {stable_mosaic.version = 14 : i64} {
  func.func @_pack_body(%arg0: i32, %arg1: memref<64x128xf32, #tpu.memory_space<vmem>>, %arg2: memref<2048x64xf32, #tpu.memory_space<vmem>>, %arg3: memref<2048x64xf32, #tpu.memory_space<vmem>>, %arg4: memref<2048x1xi32, #tpu.memory_space<vmem>>, %arg5: memref<2048x1xi32, #tpu.memory_space<vmem>>, %arg6: memref<2048x16xi32, #tpu.memory_space<vmem>>, %arg7: memref<2048x16xi32, #tpu.memory_space<vmem>>) attributes {dimension_semantics = [#tpu.dimension_semantics<arbitrary>], iteration_bounds = array<i64: 4>, scalar_prefetch = 0 : i64, scratch_operands = 0 : i64, tpu.core_type = #tpu.core_type<tc>, window_params = [{pipeline_mode = #tpu.pipeline_mode<synchronous>, transform_indices = @transform_0, window_bounds = array<i64: 64, 128>}, {transform_indices = @transform_1, window_bounds = array<i64: 2048, 64>}, {transform_indices = @transform_2, window_bounds = array<i64: 2048, 64>}, {transform_indices = @transform_3, window_bounds = array<i64: 2048, 1>}, {transform_indices = @transform_4, window_bounds = array<i64: 2048, 1>}, {transform_indices = @transform_5, window_bounds = array<i64: 2048, 16>}, {transform_indices = @transform_6, window_bounds = array<i64: 2048, 16>}]} {
    %get3A = arith.constant 0 : index
    %get3A_0 = arith.constant 0 : index
    %get3A_1 = vector.load %arg1[%get3A, %get3A_0] : memref<64x128xf32, #tpu.memory_space<vmem>>, vector<64x128xf32>
    %get3A_2 = arith.constant 0 : index
    %get3A_3 = arith.constant 0 : index
    %get3A_4 = vector.load %arg3[%get3A_2, %get3A_3] : memref<2048x64xf32, #tpu.memory_space<vmem>>, vector<2048x64xf32>
    %gt3A = arith.constant 0.000000e+00 : f32
    %gt3A_5 = vector.broadcast %gt3A : f32 to vector<2048x64xf32>
    %gt3A_6 = arith.cmpf ogt, %get3A_4, %gt3A_5 : vector<2048x64xf32>
    %jit3A = arith.constant 1.000000e+00 : f32
    %jit3A_7 = arith.constant 0.000000e+00 : f32
    %broadcast_in_dim3A = vector.broadcast %jit3A : f32 to vector<2048x64xf32>
    %broadcast_in_dim3A_8 = vector.broadcast %jit3A_7 : f32 to vector<2048x64xf32>
    %select_n3A = arith.select %gt3A_6, %broadcast_in_dim3A, %broadcast_in_dim3A_8 : vector<2048x64xi1>, vector<2048x64xf32>
    %dot_general3A = arith.constant dense<0.000000e+00> : vector<2048x128xf32>
    %dot_general3A_9 = tpu.matmul %select_n3A, %get3A_1, %dot_general3A {dimension_numbers = #tpu.dot_dimension_numbers<[1], [0], [0], [1], [0, 0, 1, 1], [], []>, transpose_lhs_hint = false} : vector<2048x64xf32>, vector<64x128xf32>, vector<2048x128xf32> -> vector<2048x128xf32>
    %slice3A = vector.extract_strided_slice %dot_general3A_9 {offsets = [0, 0], sizes = [2048, 1], strides = [1, 1]} : vector<2048x128xf32> to vector<2048x1xf32>
    %convert_element_type3A = arith.fptosi %slice3A : vector<2048x1xf32> to vector<2048x1xi32>
    %slice3A_10 = vector.extract_strided_slice %dot_general3A_9 {offsets = [0, 1], sizes = [2048, 1], strides = [1, 1]} : vector<2048x128xf32> to vector<2048x1xf32>
    %convert_element_type3A_11 = arith.fptosi %slice3A_10 : vector<2048x1xf32> to vector<2048x1xi32>
    %slice3A_12 = vector.extract_strided_slice %dot_general3A_9 {offsets = [0, 2], sizes = [2048, 1], strides = [1, 1]} : vector<2048x128xf32> to vector<2048x1xf32>
    %convert_element_type3A_13 = arith.fptosi %slice3A_12 : vector<2048x1xf32> to vector<2048x1xi32>
    %slice3A_14 = vector.extract_strided_slice %dot_general3A_9 {offsets = [0, 3], sizes = [2048, 1], strides = [1, 1]} : vector<2048x128xf32> to vector<2048x1xf32>
    %convert_element_type3A_15 = arith.fptosi %slice3A_14 : vector<2048x1xf32> to vector<2048x1xi32>
    %shift_left3A = arith.constant 16 : i32
    %shift_left3A_16 = vector.broadcast %shift_left3A : i32 to vector<2048x1xi32>
    %shift_left3A_17 = arith.shli %convert_element_type3A_11, %shift_left3A_16 : vector<2048x1xi32>
    %or3A = arith.ori %convert_element_type3A, %shift_left3A_17 : vector<2048x1xi32>
    %shift_left3A_18 = arith.constant 16 : i32
    %shift_left3A_19 = vector.broadcast %shift_left3A_18 : i32 to vector<2048x1xi32>
    %shift_left3A_20 = arith.shli %convert_element_type3A_15, %shift_left3A_19 : vector<2048x1xi32>
    %or3A_21 = arith.ori %convert_element_type3A_13, %shift_left3A_20 : vector<2048x1xi32>
    %swap3A = arith.constant 0 : index
    %swap3A_22 = arith.constant 0 : index
    %swap3A_23 = vector.load %arg4[%swap3A, %swap3A_22] : memref<2048x1xi32, #tpu.memory_space<vmem>>, vector<2048x1xi32>
    tpu.vector_store %arg4[%swap3A, %swap3A_22], %or3A {strides = array<i32>} : memref<2048x1xi32, #tpu.memory_space<vmem>>, vector<2048x1xi32>,
    %swap3A_24 = arith.constant 0 : index
    %swap3A_25 = arith.constant 0 : index
    %swap3A_26 = vector.load %arg5[%swap3A_24, %swap3A_25] : memref<2048x1xi32, #tpu.memory_space<vmem>>, vector<2048x1xi32>
    tpu.vector_store %arg5[%swap3A_24, %swap3A_25], %or3A_21 {strides = array<i32>} : memref<2048x1xi32, #tpu.memory_space<vmem>>, vector<2048x1xi32>,
    %get3A_27 = arith.constant 0 : index
    %get3A_28 = arith.constant 0 : index
    %get3A_29 = vector.load %arg2[%get3A_27, %get3A_28] : memref<2048x64xf32, #tpu.memory_space<vmem>>, vector<2048x64xf32>
    %gt3A_30 = arith.constant 0.000000e+00 : f32
    %gt3A_31 = vector.broadcast %gt3A_30 : f32 to vector<2048x64xf32>
    %gt3A_32 = arith.cmpf ogt, %get3A_29, %gt3A_31 : vector<2048x64xf32>
    %jit3A_33 = arith.constant 1.000000e+00 : f32
    %jit3A_34 = arith.constant 0.000000e+00 : f32
    %broadcast_in_dim3A_35 = vector.broadcast %jit3A_33 : f32 to vector<2048x64xf32>
    %broadcast_in_dim3A_36 = vector.broadcast %jit3A_34 : f32 to vector<2048x64xf32>
    %select_n3A_37 = arith.select %gt3A_32, %broadcast_in_dim3A_35, %broadcast_in_dim3A_36 : vector<2048x64xi1>, vector<2048x64xf32>
    %dot_general3A_38 = arith.constant dense<0.000000e+00> : vector<2048x128xf32>
    %dot_general3A_39 = tpu.matmul %select_n3A_37, %get3A_1, %dot_general3A_38 {dimension_numbers = #tpu.dot_dimension_numbers<[1], [0], [0], [1], [0, 0, 1, 1], [], []>, transpose_lhs_hint = false} : vector<2048x64xf32>, vector<64x128xf32>, vector<2048x128xf32> -> vector<2048x128xf32>
    %slice3A_40 = vector.extract_strided_slice %dot_general3A_39 {offsets = [0, 0], sizes = [2048, 1], strides = [1, 1]} : vector<2048x128xf32> to vector<2048x1xf32>
    %convert_element_type3A_41 = arith.fptosi %slice3A_40 : vector<2048x1xf32> to vector<2048x1xi32>
    %slice3A_42 = vector.extract_strided_slice %dot_general3A_39 {offsets = [0, 1], sizes = [2048, 1], strides = [1, 1]} : vector<2048x128xf32> to vector<2048x1xf32>
    %convert_element_type3A_43 = arith.fptosi %slice3A_42 : vector<2048x1xf32> to vector<2048x1xi32>
    %slice3A_44 = vector.extract_strided_slice %dot_general3A_39 {offsets = [0, 2], sizes = [2048, 1], strides = [1, 1]} : vector<2048x128xf32> to vector<2048x1xf32>
    %convert_element_type3A_45 = arith.fptosi %slice3A_44 : vector<2048x1xf32> to vector<2048x1xi32>
    %slice3A_46 = vector.extract_strided_slice %dot_general3A_39 {offsets = [0, 3], sizes = [2048, 1], strides = [1, 1]} : vector<2048x128xf32> to vector<2048x1xf32>
    %convert_element_type3A_47 = arith.fptosi %slice3A_46 : vector<2048x1xf32> to vector<2048x1xi32>
    %shift_left3A_48 = arith.constant 16 : i32
    %shift_left3A_49 = vector.broadcast %shift_left3A_48 : i32 to vector<2048x1xi32>
    %shift_left3A_50 = arith.shli %convert_element_type3A_43, %shift_left3A_49 : vector<2048x1xi32>
    %or3A_51 = arith.ori %convert_element_type3A_41, %shift_left3A_50 : vector<2048x1xi32>
    %shift_left3A_52 = arith.constant 16 : i32
    %shift_left3A_53 = vector.broadcast %shift_left3A_52 : i32 to vector<2048x1xi32>
    %shift_left3A_54 = arith.shli %convert_element_type3A_47, %shift_left3A_53 : vector<2048x1xi32>
    %or3A_55 = arith.ori %convert_element_type3A_45, %shift_left3A_54 : vector<2048x1xi32>
    %broadcast_in_dim3A_56 = vector.shape_cast %or3A_51 : vector<2048x1xi32> to vector<2048x1xi32>
    %broadcast_in_dim3A_57 = vector.broadcast %broadcast_in_dim3A_56 : vector<2048x1xi32> to vector<2048x16xi32>
    %swap3A_58 = arith.constant 0 : index
    %swap3A_59 = arith.constant 0 : index
    %swap3A_60 = vector.load %arg6[%swap3A_58, %swap3A_59] : memref<2048x16xi32, #tpu.memory_space<vmem>>, vector<2048x16xi32>
    tpu.vector_store %arg6[%swap3A_58, %swap3A_59], %broadcast_in_dim3A_57 {strides = array<i32>} : memref<2048x16xi32, #tpu.memory_space<vmem>>, vector<2048x16xi32>,
    %broadcast_in_dim3A_61 = vector.shape_cast %or3A_55 : vector<2048x1xi32> to vector<2048x1xi32>
    %broadcast_in_dim3A_62 = vector.broadcast %broadcast_in_dim3A_61 : vector<2048x1xi32> to vector<2048x16xi32>
    %swap3A_63 = arith.constant 0 : index
    %swap3A_64 = arith.constant 0 : index
    %swap3A_65 = vector.load %arg7[%swap3A_63, %swap3A_64] : memref<2048x16xi32, #tpu.memory_space<vmem>>, vector<2048x16xi32>
    tpu.vector_store %arg7[%swap3A_63, %swap3A_64], %broadcast_in_dim3A_62 {strides = array<i32>} : memref<2048x16xi32, #tpu.memory_space<vmem>>, vector<2048x16xi32>,
    return
  }
  func.func @transform_0(%arg0: i32) -> (i32, i32) {
    %c0_i32 = arith.constant 0 : i32
    %c0_i32_0 = arith.constant 0 : i32
    %c0_i32_1 = arith.constant 0 : i32
    return %c0_i32, %c0_i32_0 : i32, i32
  }
  func.func @transform_1(%arg0: i32) -> (i32, i32) {
    %c0_i32 = arith.constant 0 : i32
    %c0_i32_0 = arith.constant 0 : i32
    return %arg0, %c0_i32 : i32, i32
  }
  func.func @transform_2(%arg0: i32) -> (i32, i32) {
    %c0_i32 = arith.constant 0 : i32
    %c0_i32_0 = arith.constant 0 : i32
    return %arg0, %c0_i32 : i32, i32
  }
  func.func @transform_3(%arg0: i32) -> (i32, i32) {
    %c0_i32 = arith.constant 0 : i32
    %c0_i32_0 = arith.constant 0 : i32
    return %arg0, %c0_i32 : i32, i32
  }
  func.func @transform_4(%arg0: i32) -> (i32, i32) {
    %c0_i32 = arith.constant 0 : i32
    %c0_i32_0 = arith.constant 0 : i32
    return %arg0, %c0_i32 : i32, i32
  }
  func.func @transform_5(%arg0: i32) -> (i32, i32) {
    %c0_i32 = arith.constant 0 : i32
    %c0_i32_0 = arith.constant 0 : i32
    return %arg0, %c0_i32 : i32, i32
  }
  func.func @transform_6(%arg0: i32) -> (i32, i32) {
    %c0_i32 = arith.constant 0 : i32
    %c0_i32_0 = arith.constant 0 : i32
    return %arg0, %c0_i32 : i32, i32
  }
}

</mosaic_0001>

<sc_bundles>
// kernel: kernel.4.cloned.1.call-start
scs
__scs_entry_jumppad:
0x0: {  	(pc) =	sbr.rel $0x88, $3  }
0x1: {  	(tag) =	ssettag $0x0;
	lr =	simm.s32 $0x1  }
0x2: {  	[smem:$0x3F9F] =	sst lr;
	_ =	strace $0xD0000000  }
0x3: {  	_ = 	snop  }
0x4: {  	_ = 	snop  }
0x5: {  	_ = 	snop  }
0x6: {  	_ = 	snop  }
0x7: {  	_ = 	snop  }
__scs_overlays_trampoline_lowered:
0x8: {  	[smem:$0x3FAE] =	sst s0  }
0x9: {  	[smem:$0x3FAF] =	sst s1  }
0xa: {  	[smem:$0x3FB0] =	sst s2  }
0xb: {  	[smem:$0x3FB1] =	sst s3  }
0xc: {  	[smem:$0x3FB2] =	sst s4  }
0xd: {  	[smem:$0x3FB3] =	sst s5  }
0xe: {  	[smem:$0x3FB4] =	sst s6  }
0xf: {  	[smem:$0x3FB5] =	sst s7  }
0x10: {  	[smem:$0x3FB6] =	sst s8  }
0x11: {  	[smem:$0x3FB7] =	sst s9;
	s0 =	simm.s32 @!p0 $0x0  }
0x12: {  	s1 =	sld [smem:$0x3F9D];
	s0 =	simm.s32 @p0 $0x1  }
0x13: {  	[smem:$0x3FB8] =	sst s0;
	s0 =	simm.s32 @!p1 $0x0  }
0x14: {  	s2 =	sld [smem:$0x3F9C];
	s0 =	simm.s32 @p1 $0x1  }
0x15: {  	[smem:$0x3FB9] =	sst s0;
	s0 =	simm.s32 @!p2 $0x0  }
0x16: {  	s3 =	sld [smem:$0x3FDB];
	s0 =	simm.s32 @p2 $0x1  }
0x17: {  	s4 =	simm.s32 $0x1BF5;
	[smem:$0x3FBB] =	sst s0  }
0x18: {  	s0 =	sld [smem:$0x3F9E];
	_ =	swait.ge [sflag:s4], $0x0  }
0x19: {  	s7 =	sld [smem:$0x3F9F]  }
0x1a: {  	s8 =	sadd.s32 $0xFFFFE003, lr  }
0x1b: {  	s9 =	sadd.s32 $0xFFFFFEF7, lr;
	s5 =	simm.s32 $0xFFFFFFFF;
	p2 =	slt.u32 s8, $0xFFFFF086  }
0x1c: {  	p1 =	slt.u32 s9, $0xF7A;
	s5 =	simm.s32 @!p2 $0x0  }
0x1d: {  	s5 =	simm.s32 @p1 $0x1;
	p0 =	seq.s32 s7, s2  }
0x1e: {  	s7 =	smul.u32 @!p0 $0xF7A, s2;
	p2 =	seq.s32 @!p0 s5, $0x0  }
0x1f: {  	s9 =	smul.u32 $0xF7A, s1;
	s8 =	simm.s32 @!p0 $0x1BF5;
	p2 =	por !p2, p0  }
0x20: {  	[sflag:s8] =	ssyncset.s32 @!p0 $0xFFFFF086;
	s6 =	sadd.s32 @!p0 s3, s7;
	s7 =	simm.s32 @!p0 $0x108  }
0x21: {  	s3 =	sadd.s32 s3, s9;
	s6 =	sadd.s32 @!p0 $0x88, s6;
	s7 =	simm.s32 @p2 $0x1082  }
0x22: {  	[simem:s7], [sflag:s8] =	dma.local @!p0 [hbm:s6], $0xF7A  }
0x23: {  	s9 =	sor.u32 $0xD0000000, s2;
	s6 =	simm.s32 $0x108;
	_ =	swait.ge @!p0 [sflag:s8], $0x0  }
0x24: {  	s3 =	sadd.s32 $0x88, s3;
	s6 =	simm.s32 @!p1 $0x1082;
	[sflag:s4] =	ssyncset.s32 $0xFFFFF086  }
0x25: {  	[simem:s6], [sflag:s4] =	dma.local [hbm:s3], $0xF7A  }
0x26: {  	[smem:$0x3F9F] =	sst s1;
	(tag) =	ssettag s2;
	_ =	strace s9  }
0x27: {  	s1 =	sld [smem:$0x3FAF]  }
0x28: {  	s2 =	sld [smem:$0x3FB0]  }
0x29: {  	s4 =	sld [smem:$0x3FB2]  }
0x2a: {  	p0 =	seq.s32 s5, $0x0;
	s5 =	sld [smem:$0x3FB3]  }
0x2b: {  	s6 =	sld [smem:$0x3FB4]  }
0x2c: {  	s7 =	sld [smem:$0x3FB5]  }
0x2d: {  	s3 =	simm.s32 $0x108;
	s8 =	sld [smem:$0x3FB6]  }
0x2e: {  	s3 =	simm.s32 @!p0 $0x1082;
	s9 =	sld [smem:$0x3FB7]  }
0x2f: {  	lr =	sadd.s32 s0, s3;
	s0 =	sld [smem:$0x3FAE]  }
0x30: {  	s3 =	sld [smem:$0x3FB1]  }
0x31: {  	[smem:$0x3FBA] =	sst s10  }
0x32: {  	s10 =	sld [smem:$0x3FB8];
	_ =	sdelay $0x3  }
0x33: {  	p0 =	seq.s32 s10, $0x1;
	s10 =	sld [smem:$0x3FBA];
	_ =	sdelay $0x3  }
0x34: {  	[smem:$0x3FBA] =	sst s10  }
0x35: {  	s10 =	sld [smem:$0x3FB9];
	_ =	sdelay $0x3  }
0x36: {  	p1 =	seq.s32 s10, $0x1;
	s10 =	sld [smem:$0x3FBA];
	_ =	sdelay $0x3  }
0x37: {  	[smem:$0x3FBA] =	sst s10  }
0x38: {  	s10 =	sld [smem:$0x3FBB]  }
0x39: {  	_ = 	snop;
	(pc) =	sbr.ind lr, $3  }
0x3a: {  	_ = 	snop  }
0x3b: {  	_ = 	snop  }
0x3c: {  	p2 =	seq.s32 s10, $0x1;
	s10 =	sld [smem:$0x3FBA]  }
0x3d: {  	_ =	shalt  }
0x3e: {  	_ =	shalt  }
0x3f: {  	_ =	shalt  }
0x40: {  	_ =	shalt  }
0x41: {  	_ =	shalt  }
0x42: {  	_ =	shalt  }
0x43: {  	_ =	shalt  }
0x44: {  	_ =	shalt  }
0x45: {  	_ =	shalt  }
0x46: {  	_ =	shalt  }
0x47: {  	_ =	shalt  }
0x48: {  	_ =	shalt  }
0x49: {  	_ =	shalt  }
0x4a: {  	_ =	shalt  }
0x4b: {  	_ =	shalt  }
0x4c: {  	_ =	shalt  }
0x4d: {  	_ =	shalt  }
0x4e: {  	_ =	shalt  }
0x4f: {  	_ =	shalt  }
0x50: {  	_ =	shalt  }
0x51: {  	_ =	shalt  }
0x52: {  	_ =	shalt  }
0x53: {  	_ =	shalt  }
0x54: {  	_ =	shalt  }
0x55: {  	_ =	shalt  }
0x56: {  	_ =	shalt  }
0x57: {  	_ =	shalt  }
0x58: {  	_ =	shalt  }
0x59: {  	_ =	shalt  }
0x5a: {  	_ =	shalt  }
0x5b: {  	_ =	shalt  }
0x5c: {  	_ =	shalt  }
0x5d: {  	_ =	shalt  }
0x5e: {  	_ =	shalt  }
0x5f: {  	_ =	shalt  }
0x60: {  	_ =	shalt  }
0x61: {  	_ =	shalt  }
0x62: {  	_ =	shalt  }
0x63: {  	_ =	shalt  }
0x64: {  	_ =	shalt  }
0x65: {  	_ =	shalt  }
0x66: {  	_ =	shalt  }
0x67: {  	_ =	shalt  }
0x68: {  	_ =	shalt  }
0x69: {  	_ =	shalt  }
0x6a: {  	_ =	shalt  }
0x6b: {  	_ =	shalt  }
0x6c: {  	_ =	shalt  }
0x6d: {  	_ =	shalt  }
0x6e: {  	_ =	shalt  }
0x6f: {  	_ =	shalt  }
0x70: {  	_ =	shalt  }
0x71: {  	_ =	shalt  }
0x72: {  	_ =	shalt  }
0x73: {  	_ =	shalt  }
0x74: {  	_ =	shalt  }
0x75: {  	_ =	shalt  }
0x76: {  	_ =	shalt  }
0x77: {  	_ =	shalt  }
0x78: {  	_ =	shalt  }
0x79: {  	_ =	shalt  }
0x7a: {  	_ =	shalt  }
0x7b: {  	_ =	shalt  }
0x7c: {  	_ =	shalt  }
0x7d: {  	_ =	shalt  }
0x7e: {  	_ =	shalt  }
0x7f: {  	_ =	shalt  }
0x80: {  	_ =	shalt  }
0x81: {  	_ =	shalt  }
0x82: {  	_ =	shalt  }
0x83: {  	_ =	shalt  }
0x84: {  	_ =	shalt  }
0x85: {  	_ =	shalt  }
0x86: {  	_ =	shalt  }
0x87: {  	_ =	shalt  }
.Lfunc_end0:
.L_simem_size_0:
called_computation_lowered:
.L_overlay_start_0:
0x88: {  	s2 =	sld [smem:$0x3FD9]  }
0x89: {  	s3 =	sld [smem:$0x3FFE];
	_ =	sdelay $0x1  }
0x8a: {  	s1 =	srdreg.scid  }
0x8b: {  	s0 =	sand.u32 $0x1, s1  }
0x8c: {  	s17 =	sshll.u32 s0, $0xA;
	s2 =	sadd.s32 s3, s2  }
0x8d: {  	s2 =	sadd.s32 s2, s17  }
0x8e: {  	[smem:$0x3FC6] =	sst s2  }
0x8f: {  	_ = 	snop  }
0x90: {  	s2 =	sld [smem:$0x3FD0];
	(tm) =	ssettm $0x1  }
0x91: {  	s18 =	sld [smem:$0x3FFB];
	_ =	sdelay $0x3  }
0x92: {  	_ =	strace s18  }
0x93: {  	s3 =	sld [smem:$0x3FFC];
	_ =	sdelay $0x3  }
0x94: {  	_ =	strace s3  }
0x95: {  	s3 =	sld [smem:$0x3FFD];
	_ =	sdelay $0x3  }
0x96: {  	_ =	strace s3  }
0x97: {  	_ =	strace $0x8FFFFFFF  }
0x98: {  	s19 =	sld [smem:$0x3FDB];
	_ =	sdelay $0x1  }
0x99: {  	s4 =	simm.s32 $_scs_section_size  }
0x9a: {  	s5 =	simm.s32 $_size__tile_overlayer_lowered;
	s6 =	simm.s32 $_tile_overlayer_lowered  }
0x9b: {  	s22 =	simm.s32 $0x1BFF;
	s21 =	sshll.u32 s6, $0x1;
	s3 =	sadd.s32 s4, s19  }
0x9c: {  	s7 =	simm.s32 $0x0;
	s20 =	sshll.u32 s5, $0x1;
	s5 =	sadd.s32 s21, s3  }
0x9d: {  	[timem:s7], [sflag:s22] =	dma.local [hbm:s5], s20  }
0x9e: {  	_ =	swait.ge [sflag:s22], s20  }
0x9f: {  	s4 =	ssub.s32 $0x0, s20;
	[sflag:s22] =	ssyncset.done $0x0  }
0xa0: {  	[sflag:s22] =	ssyncadd.s32 s4;
	_ =	sdelay $0x1  }
0xa1: {  	s23 =	simm.s32 $0x1B8B  }
0xa2: {  	_ =	swait.ge [sflag:s23], $0x1  }
0xa3: {  	[sflag:s23] =	ssyncset.done $0x0  }
0xa4: {  	s25 =	simm.s32 $0x1B8E;
	s24 =	sld [smem:$0x3FFE];
	[sflag:s23] =	ssyncadd.s32 $0xFFFFFFFF  }
0xa5: {  	s26 =	simm.s32 $execute0_lowered;
	[smem:$0x3FD2] =	sst s25  }
0xa6: {  	s5 =	sshll.u32 s26, $0x1;
	_ =	strace $0x80000046;
	[dreg:$0x1] =	wrdreg $0xFFFFFFFF  }
0xa7: {  	s28 =	simm.s32 $_size_execute0_lowered;
	s3 =	sadd.s32 s3, s5;
	[dreg:$0x0] =	wrdreg $0x0  }
0xa8: {  	s5 =	sshll.u32 s28, $0x1;
	[dreg:$0x2] =	wrdreg s3  }
0xa9: {  	[dreg:$0x3] =	wrdreg s5  }
0xaa: {  	[dreg:$0x4] =	wrdreg $0xC0  }
0xab: {  	_ =	task [dreg:s7], $0x5FFFF  }
0xac: {  	[dreg:$0x1] =	wrdreg $0xFFFFFFFF  }
0xad: {  	[dreg:$0x0] =	wrdreg $0x60  }
0xae: {  	[dreg:$0x2] =	wrdreg s24  }
0xaf: {  	[dreg:$0x3] =	wrdreg s2  }
0xb0: {  	[dreg:$0x4] =	wrdreg $0x9  }
0xb1: {  	_ =	task.clear_ibuf [dreg:s7], $0x5FFFF;
	_ =	strace $0x90000046  }
0xb2: {  	s29 =	simm.s32 $0x9;
	_ =	strace $0x80000048  }
0xb3: {  	_ =	swait.ge [sflag:s29], $0x1  }
0xb4: {  	[sflag:s29] =	ssyncadd.s32 $0xFFFFFFFF  }
0xb5: {  	_ =	strace $0x90000048  }
0xb6: {  	_ =	sfence  }
0xb7: {  	s30 =	sld [smem:$0x0];
	_ =	sdelay $0x2  }
0xb8: {  	s31 =	sshll.u32 s1, $0xD;
	s1 =	sshrl.u32 s1, $0x2  }
0xb9: {  	s3 =	sand.u32 $0x4000, s31;
	s1 =	sadd.s32 s1, s30  }
0xba: {  	s0 =	sor.u32 s3, s0;
	s1 =	sshll.u32 s1, $0x11  }
0xbb: {  	s0 =	sor.u32 s1, s0  }
0xbc: {  	s0 =	sadd.s32 $0x8F2B, s0  }
0xbd: {  	[sflag:s0] =	ssyncadd.remote.s32 $0x1  }
0xbe: {  	_ =	sfence.sel $0xFFFF  }
0xbf: {  	[dreg:$0x0] =	wrdreg $0xFFFFFFFF;
	(pc) =	sbr.abs _section_cstart, $3  }
0xc0: {  	[dreg:$0x1] =	wrdreg $0xFFFFFFFF  }
0xc1: {  	_ =	task.clear_ibuf [dreg:s7], $0x2FFFF;
	_ =	strace $0x9FFFFFFF  }
0xc2: {  	(tm) =	ssettm $0x7FFFFFFF  }
0xc3: {  	_ =	shalt  }
tec
execute0_lowered:
.L_overlay_start_1:
0x0: {  	(tag) =	ssettag $0x1  }
0x1: {  	s3 =	rddreg [dreg:$0x0]  }
0x2: {  	s0 =	stileid.u32;
	s7 =	rddreg [dreg:$0x1]  }
0x3: {  	s2 =	srdreg.scid;
	s1 =	rddreg [dreg:$0x2];
	s11 =	simm.s32 $0x11000  }
0x4: {  	s12 =	simm.s32 $0x11200;
	s13 =	simm.s32 $0x13200;
	s14 =	simm.s32 $0x15200  }
0x5: {  	s15 =	simm.s32 $0x17280;
	s16 =	simm.s32 $0x0;
	s4 =	sshll.u32 s0, $0x1  }
0x6: {  	s5 =	sand.u32 $0x1, s2;
	s2 =	simm.s32 $0x0;
	s6 =	sshll.u32 s0, $0x9  }
0x7: {  	s4 =	sand.u32 $0x6, s4;
	[smem:$0x7FF] =	sst s2;
	s6 =	sand.u32 $0x1800, s6  }
0x8: {  	s28 =	ssub.s32 $0x2, s5;
	s4 =	sor.u32 s5, s4;
	_ =	strace $0x80000047  }
0x9: {  	s29 =	sshrl.u32 s6, $0x3;
	s9 =	sshrl.u32 s28, $0x1;
	s4 =	sshll.u32 s4, $0x8  }
.Ltmp0:
0xa: {  	s10 =	sadd.s32 s29, s3;
	s9 =	ssub.s32 s28, s9;
	(pc) =	sbr.rel .LBB2_1-.Ltmp0, $4  }
0xb: {  	s8 =	sor.u32 s6, s4;
	s5 =	sadd.s32 $0x40400, s10;
	s6 =	sadd.s32 $0x40800, s10  }
0xc: {  	s10 =	simm.s32 $0x8000;
	s30 =	sshll.u32 s8, $0x4;
	s8 =	sshll.u32 s8, $0x3  }
0xd: {  	s31 =	sadd.s32 s30, s3;
	s7 =	sadd.s32 s7, s8;
	s8 =	smax.u32 s9, $0x1  }
0xe: {  	v0 =	vlaneseq.u32;
	v1 =	vimm.s32 $0x0;
	v2 =	vimm.f32 $-1.000000000e+00;
	s9 =	simm.s32 $0x1;
	s3 =	sadd.s32 $0x400, s31;
	s4 =	sadd.s32 $0x20400, s31  }
.LBB2_13:
0xf: {  	s16 =	sadd.s32 $0x1, s16  }
0x10: {  	p0 =	sne.s32 s16, s8  }
.Ltmp1:
0x11: {  	_ = 	snop;
	(pc) =	sbr.rel @!p0 .LBB2_14-.Ltmp1, $4  }
0x12: {  	[hbm4b:s7+s2] =	stream.linear.scatter [tilespmem:s15], [sflag:$0x1], $0x4000, $0x38;
	[tilespmem:$0x1B300] =	vst v63  }
0x13: {  	_ =	swait.ge [sflag:s9], $0x4000  }
0x14: {  	[sflag:s9] =	ssyncset.done $0x0  }
0x15: {  	[sflag:s9] =	ssyncadd.s32 $0xFFFFC000  }
.LBB2_1:
0x16: {  	[tilespmem:s2], [sflag:$0x1] =	stream.linear.gather [hbm4b:s3+s2], $0x8000, $0x38;
	[tilespmem:$0x1B300] =	vst v63  }
0x17: {  	_ =	swait.ge [sflag:s9], $0x8000  }
0x18: {  	[sflag:s9] =	ssyncset.done $0x0  }
0x19: {  	[sflag:s9] =	ssyncadd.s32 $0xFFFF8000  }
0x1a: {  	[tilespmem:s10], [sflag:$0x1] =	stream.linear.gather [hbm4b:s4+s2], $0x8000, $0x38;
	[tilespmem:$0x1B300] =	vst v63  }
0x1b: {  	_ =	swait.ge [sflag:s9], $0x8000  }
0x1c: {  	[sflag:s9] =	ssyncset.done $0x0  }
0x1d: {  	s17 =	simm.s32 $0x10000;
	[sflag:s9] =	ssyncadd.s32 $0xFFFF8000  }
0x1e: {  	[tilespmem:s17], [sflag:$0x1] =	stream.linear.gather [hbm4b:s5+s2], $0x800, $0x38;
	[tilespmem:$0x1B300] =	vst v63  }
0x1f: {  	_ =	swait.ge [sflag:s9], $0x800  }
0x20: {  	[sflag:s9] =	ssyncset.done $0x0  }
0x21: {  	s18 =	simm.s32 $0x10800;
	[sflag:s9] =	ssyncadd.s32 $0xFFFFF800  }
0x22: {  	[tilespmem:s18], [sflag:$0x1] =	stream.linear.gather [hbm4b:s6+s2], $0x800, $0x38;
	[tilespmem:$0x1B300] =	vst v63  }
0x23: {  	_ =	swait.ge [sflag:s9], $0x800  }
0x24: {  	[sflag:s9] =	ssyncset.done $0x0  }
0x25: {  	[sflag:s9] =	ssyncadd.s32 $0xFFFFF800  }
0x26: {  	[tilespmem:$0x11000] =	vst v1  }
0x27: {  	[tilespmem:$0x11010] =	vst v1  }
0x28: {  	[tilespmem:$0x11020] =	vst v1  }
0x29: {  	[tilespmem:$0x11030] =	vst v1  }
0x2a: {  	[tilespmem:$0x11040] =	vst v1  }
0x2b: {  	[tilespmem:$0x11050] =	vst v1  }
0x2c: {  	[tilespmem:$0x11060] =	vst v1  }
0x2d: {  	[tilespmem:$0x11070] =	vst v1  }
0x2e: {  	[tilespmem:$0x11080] =	vst v1  }
0x2f: {  	[tilespmem:$0x11090] =	vst v1  }
0x30: {  	[tilespmem:$0x110A0] =	vst v1  }
0x31: {  	[tilespmem:$0x110B0] =	vst v1  }
0x32: {  	[tilespmem:$0x110C0] =	vst v1  }
0x33: {  	[tilespmem:$0x110D0] =	vst v1  }
0x34: {  	[tilespmem:$0x110E0] =	vst v1  }
0x35: {  	[tilespmem:$0x110F0] =	vst v1  }
0x36: {  	[tilespmem:$0x11100] =	vst v1  }
0x37: {  	[tilespmem:$0x11110] =	vst v1  }
0x38: {  	[tilespmem:$0x11120] =	vst v1  }
0x39: {  	[tilespmem:$0x11130] =	vst v1  }
0x3a: {  	[tilespmem:$0x11140] =	vst v1  }
0x3b: {  	[tilespmem:$0x11150] =	vst v1  }
0x3c: {  	[tilespmem:$0x11160] =	vst v1  }
0x3d: {  	[tilespmem:$0x11170] =	vst v1  }
0x3e: {  	[tilespmem:$0x11180] =	vst v1  }
0x3f: {  	[tilespmem:$0x11190] =	vst v1  }
0x40: {  	[tilespmem:$0x111A0] =	vst v1  }
0x41: {  	[tilespmem:$0x111B0] =	vst v1  }
0x42: {  	[tilespmem:$0x111C0] =	vst v1  }
0x43: {  	[tilespmem:$0x111D0] =	vst v1  }
0x44: {  	[tilespmem:$0x111E0] =	vst v1  }
0x45: {  	[tilespmem:$0x111F0] =	vst v1  }
0x46: {  	v5 =	vld [tilespmem:s17+$0x0];
	_ =	sdelay $0x2  }
0x47: {  	s20 =	simm.s32 $0x10;
	v3 =	vimm.s32 $0x0;
	s19 =	simm.s32 $0x0;
	v4 =	vld [tilespmem:s18+$0x0]  }
.LBB2_2:
0x48: {  	p0 =	sne.s32 s20, $0x7F0  }
0x49: {  	v6 =	vand.u32 $0x1FF, v5  }
0x4a: {  	(xrf1) =	vunique.msk.u32 $0xffff, v6;
	_ =	sdelay $0x8  }
0x4b: {  	v7 =	vld.idx.msk [tilespmem:v6+s11+$0x0], $0xffff;
	_ =	sdelay $0x4  }
0x4c: {  	_, v8, vm0 =	vpop (xrf1)  }
0x4d: {  	v7 =	vadd.s32 v8, v7  }
0x4e: {  	v7 =	vadd.s32 $0xFFFFFFFF, v7  }
0x4f: {  	vm1 =	vge.s32 v7, $0x10;
	vm2 =	vlt.s32 v7, $0xF  }
0x50: {  	v9 =	vshll.u32 v6, $0x4;
	vm3 =	vlt.s32 v7, $0x10;
	v7 =	vnsel vm2, $0xF, v7  }
0x51: {  	v7 =	vadd.s32 v9, v7;
	v9 =	vsel vm1, $0x1, v1  }
0x52: {  	v3 =	vor.u32 v9, v3;
	_ =	sdelay $0x2  }
0x53: {  	v9 =	vor.u32 s19, v0;
	s19 =	smov.u32 s20  }
0x54: {  	[tilespmem:v7+s12+$0x0] =	vst.idx.msk vm3, v5;
	v5 =	vcvt.s32.f32 v9  }
0x55: {  	[tilespmem:v7+s13+$0x0] =	vst.idx.msk vm3, v4  }
0x56: {  	[tilespmem:v7+s14+$0x0] =	vst.idx.msk vm3, v5  }
.Ltmp2:
0x57: {  	s17 =	sadd.s32 $0x10, s17;
	[tilespmem:v6+s11+$0x0] =	vst.idx.add.s32.msk vm0, v8;
	(pc) =	sbr.rel @p0 .LBB2_2-.Ltmp2, $3  }
0x58: {  	s18 =	sadd.s32 $0x10, s18;
	v5 =	vld [tilespmem:s17+$0x0]  }
0x59: {  	v4 =	vld [tilespmem:s18+$0x0];
	_ =	sdelay $0x1  }
0x5a: {  	s20 =	sadd.s32 $0x10, s20  }
0x5b: {  	_ = 	snop  }
0x5c: {  	v6 =	vand.u32 $0x1FF, v5  }
0x5d: {  	(xrf1) =	vunique.msk.u32 $0xffff, v6;
	_ =	sdelay $0x9  }
0x5e: {  	v7 =	vld.idx.msk [tilespmem:v6+s11+$0x0], $0xffff;
	_ =	sdelay $0x3  }
0x5f: {  	_, v8, vm0 =	vpop (xrf1)  }
0x60: {  	v7 =	vadd.s32 v8, v7  }
0x61: {  	v7 =	vadd.s32 $0xFFFFFFFF, v7  }
0x62: {  	vm1 =	vlt.s32 v7, $0xF  }
0x63: {  	v9 =	vshll.u32 v6, $0x4;
	vm2 =	vlt.s32 v7, $0x10;
	v10 =	vnsel vm1, $0xF, v7  }
0x64: {  	v9 =	vadd.s32 v9, v10;
	_ =	sdelay $0x3  }
0x65: {  	v63 =	vor.u32 s19, v0  }
0x66: {  	[tilespmem:v9+s12+$0x0] =	vst.idx.msk vm2, v5;
	v5 =	vcvt.s32.f32 v63  }
0x67: {  	[tilespmem:v9+s13+$0x0] =	vst.idx.msk vm2, v4  }
0x68: {  	[tilespmem:v9+s14+$0x0] =	vst.idx.msk vm2, v5  }
0x69: {  	s17 =	simm.s32 $0x172C0;
	[tilespmem:v6+s11+$0x0] =	vst.idx.add.s32.msk vm0, v8  }
0x6a: {  	[tilespmem:s17+$0xFFFFFFC0] =	vst v2  }
0x6b: {  	[tilespmem:s17+$0x30] =	vst v2  }
0x6c: {  	vm14 =	vge.s32 v7, $0x10;
	[tilespmem:s17+$0x20] =	vst v2  }
0x6d: {  	v4 =	vsel vm14, $0x1, v1;
	[tilespmem:s17+$0x10] =	vst v2  }
0x6e: {  	v3 =	vor.u32 v4, v3;
	[tilespmem:s17+$0x0] =	vst v2  }
0x6f: {  	vm15 =	vgt.s32 v3, $0x0;
	[tilespmem:s17+$0xFFFFFFF0] =	vst v2  }
0x70: {  	s18 =	simm.s32 $0x0;
	v3 =	vmpcnt.ones.xlane vm15;
	[tilespmem:s17+$0xFFFFFFE0] =	vst v2  }
.LBB2_4:
0x71: {  	s18 =	sadd.s32 $0x8, s18;
	[tilespmem:s17+$0xFFFFFFD0] =	vst v2;
	s17 =	sadd.s32 $0x80, s17  }
0x72: {  	[tilespmem:s17+$0xFFFFFFC0] =	vst v2;
	p0 =	slt.u32 s18, $0x3F8  }
0x73: {  	[tilespmem:s17+$0x30] =	vst v2  }
.Ltmp3:
0x74: {  	[tilespmem:s17+$0x20] =	vst v2;
	(pc) =	sbr.rel @p0 .LBB2_4-.Ltmp3, $4  }
0x75: {  	[tilespmem:s17+$0x10] =	vst v2  }
0x76: {  	[tilespmem:s17+$0x0] =	vst v2  }
0x77: {  	[tilespmem:s17+$0xFFFFFFF0] =	vst v2  }
0x78: {  	[tilespmem:s17+$0xFFFFFFE0] =	vst v2  }
0x79: {  	[tilespmem:s17+$0xFFFFFFD0] =	vst v2  }
0x7a: {  	s18 =	simm.s32 $0x200;
	[tilespmem:$0x1B280] =	vst v2  }
0x7b: {  	v7 =	vld [tilespmem:s18+$0x180]  }
0x7c: {  	v8 =	vld [tilespmem:s18+$0xFFFFFE80]  }
0x7d: {  	v9 =	vld [tilespmem:s18+$0xFFFFFF00]  }
0x7e: {  	v10 =	vld [tilespmem:s18+$0xFFFFFF80]  }
0x7f: {  	v11 =	vld [tilespmem:s18+$0xFFFFFE00]  }
0x80: {  	v12 =	vld [tilespmem:s18+$0x0]  }
0x81: {  	v13 =	vld [tilespmem:s18+$0x80]  }
0x82: {  	s17 =	simm.s32 $0x8200;
	v14 =	vld [tilespmem:s18+$0x100]  }
0x83: {  	v16 =	vld [tilespmem:s17+$0x180]  }
0x84: {  	v38 =	vld [tilespmem:s17+$0xFFFFFE00];
	v4 =	vshll.u32 v7, $0x4  }
0x85: {  	v57 =	vld [tilespmem:s17+$0xFFFFFF00];
	v6 =	vand.u32 $0x1FF, v7;
	v4 =	vor.u32 v0, v4  }
0x86: {  	v58 =	vld [tilespmem:s17+$0xFFFFFF80];
	v5 =	vshll.u32 v8, $0x4;
	v4 =	vand.u32 $0x1FFF, v4  }
0x87: {  	v59 =	vld [tilespmem:s17+$0x0];
	v5 =	vor.u32 v0, v5  }
0x88: {  	v60 =	vld [tilespmem:s17+$0x80];
	v15 =	vand.u32 $0x1FFF, v5  }
0x89: {  	v61 =	vld [tilespmem:s17+$0x100];
	v5 =	vshll.u32 v9, $0x4  }
0x8a: {  	v5 =	vor.u32 v0, v5;
	v21 =	vld.idx.msk [tilespmem:v6+s11+$0x0], $0xffff  }
0x8b: {  	v17 =	vshll.u32 v11, $0x4;
	v19 =	vand.u32 $0x1FFF, v5;
	v18 =	vld.idx.msk [tilespmem:v4+s12+$0x0], $0xffff  }
0x8c: {  	v5 =	vor.u32 v0, v17;
	v55 =	vld.idx.msk [tilespmem:v4+s13+$0x0], $0xffff  }
0x8d: {  	v20 =	vand.u32 $0x1FFF, v5;
	v5 =	vshll.u32 v10, $0x4;
	v22 =	vld.idx.msk [tilespmem:v15+s12+$0x0], $0xffff  }
0x8e: {  	v5 =	vor.u32 v0, v5;
	v23 =	vld.idx.msk [tilespmem:v15+s13+$0x0], $0xffff  }
0x8f: {  	v24 =	vand.u32 $0x1FFF, v5;
	v25 =	vld.idx.msk [tilespmem:v4+s14+$0x0], $0xffff  }
0x90: {  	v6 =	vshll.u32 v12, $0x4;
	v26 =	vld.idx.msk [tilespmem:v19+s12+$0x0], $0xffff  }
0x91: {  	v4 =	vor.u32 v0, v6;
	v30 =	vld.idx.msk [tilespmem:v19+s13+$0x0], $0xffff  }
0x92: {  	v6 =	vshll.u32 v13, $0x4;
	v5 =	vand.u32 $0x1FFF, v4;
	v27 =	vld.idx.msk [tilespmem:v20+s12+$0x0], $0xffff  }
0x93: {  	v29 =	vshll.u32 v14, $0x4;
	v4 =	vor.u32 v0, v6;
	v28 =	vld.idx.msk [tilespmem:v20+s13+$0x0], $0xffff  }
0x94: {  	v6 =	vand.u32 $0x1FFF, v4;
	v4 =	vor.u32 v0, v29;
	v56 =	vld.idx.msk [tilespmem:v24+s12+$0x0], $0xffff  }
0x95: {  	v4 =	vand.u32 $0x1FFF, v4;
	v31 =	vld.idx.msk [tilespmem:v24+s13+$0x0], $0xffff  }
0x96: {  	vm0 =	veq.s32 v18, v7;
	v7 =	vld [tilespmem:s17+$0xFFFFFE80]  }
0x97: {  	vm1 =	veq.s32 v55, v16;
	vm3 =	veq.s32 v22, v8;
	v8 =	vand.u32 $0x1FF, v8;
	v32 =	vld.idx.msk [tilespmem:v5+s12+$0x0], $0xffff  }
0x98: {  	v33 =	vld.idx.msk [tilespmem:v5+s13+$0x0], $0xffff;
	vm0 =	vmand vm0, vm1;
	vm1 =	vgt.s32 v21, v0;
	vm4 =	veq.s32 v26, v9  }
0x99: {  	v34 =	vld.idx.msk [tilespmem:v6+s12+$0x0], $0xffff;
	v9 =	vand.u32 $0x1FF, v9;
	vm0 =	vmand vm1, vm0;
	vm1 =	vlt.s32 v21, $0x11  }
0x9a: {  	v36 =	vld.idx.msk [tilespmem:v4+s12+$0x0], $0xffff;
	vm2 =	veq.s32 v27, v11;
	v11 =	vand.u32 $0x1FF, v11;
	vm10 =	vmand vm1, vm0  }
0x9b: {  	v35 =	vld.idx.msk [tilespmem:v6+s13+$0x0], $0xffff;
	vm1 =	veq.s32 v28, v38;
	vm5 =	veq.s32 v56, v10;
	v10 =	vand.u32 $0x1FF, v10  }
0x9c: {  	vm8 =	vmand vm2, vm1;
	vm2 =	veq.s32 v30, v57;
	v8 =	vld.idx.msk [tilespmem:v8+s11+$0x0], $0xffff;
	vm1 =	veq.s32 v23, v7  }
0x9d: {  	v37 =	vld.idx.msk [tilespmem:v4+s13+$0x0], $0xffff;
	vm11 =	vmand vm4, vm2;
	vm6 =	veq.s32 v32, v12;
	v12 =	vand.u32 $0x1FF, v12  }
0x9e: {  	vm9 =	vmand vm3, vm1;
	vm0 =	veq.s32 v34, v13;
	v13 =	vand.u32 $0x1FF, v13;
	v7 =	vld.idx.msk [tilespmem:v9+s11+$0x0], $0xffff  }
0x9f: {  	vm1 =	veq.s32 v31, v58;
	v62 =	vld.idx.msk [tilespmem:v11+s11+$0x0], $0xffff;
	vm7 =	veq.s32 v36, v14;
	v14 =	vand.u32 $0x1FF, v14  }
0xa0: {  	vm12 =	vmand vm5, vm1;
	vm1 =	veq.s32 v33, v59;
	vm3 =	veq.s32 v35, v60;
	v9 =	vld.idx.msk [tilespmem:v10+s11+$0x0], $0xffff  }
0xa1: {  	vm2 =	vmand vm6, vm1;
	vm6 =	vgt.s32 v8, v0;
	vm5 =	vlt.s32 v8, $0x11;
	v8 =	vld.idx.msk [tilespmem:v24+s14+$0x0], $0xffff  }
0xa2: {  	vm1 =	vmand vm0, vm3;
	vm0 =	veq.s32 v37, v61;
	v63 =	vld.idx.msk [tilespmem:v12+s11+$0x0], $0xffff  }
0xa3: {  	vm0 =	vmand vm7, vm0;
	v11 =	vld.idx.msk [tilespmem:v13+s11+$0x0], $0xffff  }
0xa4: {  	vm7 =	vgt.s32 v7, v0;
	vm4 =	vgt.s32 v62, v0;
	vm3 =	vlt.s32 v62, $0x11;
	v10 =	vld.idx.msk [tilespmem:v14+s11+$0x0], $0xffff  }
0xa5: {  	v12 =	vld.idx.msk [tilespmem:v15+s14+$0x0], $0xffff;
	vm4 =	vmand vm4, vm8;
	vm8 =	vmand vm6, vm9;
	vm6 =	vlt.s32 v7, $0x11  }
0xa6: {  	s18 =	simm.s32 $0x17440;
	v13 =	vld.idx.msk [tilespmem:v20+s14+$0x0], $0xffff;
	vm9 =	vmand vm7, vm11;
	vm11 =	vgt.s32 v9, v0;
	vm7 =	vlt.s32 v9, $0x11  }
0xa7: {  	s19 =	simm.s32 $0x0;
	s20 =	simm.s32 $0x600;
	[tilespmem:s18+$0x0] =	vst.msk vm10, v25;
	v7 =	vld.idx.msk [tilespmem:v19+s14+$0x0], $0xffff;
	vm11 =	vmand vm11, vm12;
	vm12 =	vgt.s32 v63, v0;
	vm10 =	vlt.s32 v63, $0x11  }
.LBB2_6:
0xa8: {  	v14 =	vld [tilespmem:s20+$0x180];
	vm2 =	vmand vm12, vm2;
	vm12 =	vgt.s32 v11, v0;
	vm13 =	vlt.s32 v11, $0x11  }
0xa9: {  	s19 =	sadd.s32 $0x8, s19;
	vm14 =	vlt.s32 v10, $0x11;
	v11 =	vld [tilespmem:s20+$0xFFFFFE80];
	vm1 =	vmand vm12, vm1;
	vm12 =	vgt.s32 v10, v0  }
0xaa: {  	vm3 =	vmand vm3, vm4;
	vm4 =	vmand vm5, vm8;
	p0 =	slt.u32 s19, $0xF8;
	v10 =	vld [tilespmem:s20+$0xFFFFFF00];
	vm0 =	vmand vm12, vm0  }
0xab: {  	vm5 =	vmand vm7, vm11;
	vm2 =	vmand vm10, vm2;
	v15 =	vld [tilespmem:s20+$0xFFFFFF80];
	[tilespmem:s18+$0xFFFFFE40] =	vst.msk vm3, v13;
	vm3 =	vmand vm6, vm9  }
0xac: {  	vm1 =	vmand vm13, vm1;
	vm0 =	vmand vm14, vm0;
	v13 =	vld [tilespmem:s20+$0x0];
	[tilespmem:s18+$0xFFFFFE80] =	vst.msk vm4, v12  }
0xad: {  	v12 =	vld [tilespmem:s20+$0x80];
	v9 =	vshll.u32 v14, $0x4;
	[tilespmem:s18+$0xFFFFFEC0] =	vst.msk vm3, v7  }
0xae: {  	v16 =	vand.u32 $0x1FF, v11;
	v7 =	vshll.u32 v11, $0x4;
	v17 =	vld [tilespmem:s20+$0x100];
	v9 =	vor.u32 v0, v9;
	[tilespmem:s18+$0xFFFFFF00] =	vst.msk vm5, v8  }
0xaf: {  	v18 =	vld [tilespmem:s20+$0xFFFFFE00];
	v7 =	vor.u32 v0, v7;
	v8 =	vshll.u32 v10, $0x4;
	v19 =	vand.u32 $0x1FFF, v9  }
0xb0: {  	v7 =	vand.u32 $0x1FFF, v7;
	v8 =	vor.u32 v0, v8;
	v9 =	vshll.u32 v15, $0x4;
	v20 =	vld.idx.msk [tilespmem:v5+s14+$0x0], $0xffff  }
0xb1: {  	v21 =	vand.u32 $0x1FF, v14;
	v5 =	vor.u32 v0, v9;
	v9 =	vshll.u32 v13, $0x4;
	v22 =	vld.idx.msk [tilespmem:v6+s14+$0x0], $0xffff  }
0xb2: {  	s17 =	sadd.s32 $0x400, s17;
	v8 =	vand.u32 $0x1FFF, v8;
	v6 =	vor.u32 v0, v9;
	v23 =	vshll.u32 v12, $0x4;
	v24 =	vld.idx.msk [tilespmem:v4+s14+$0x0], $0xffff  }
0xb3: {  	v9 =	vand.u32 $0x1FFF, v5;
	v4 =	vor.u32 v0, v23;
	v23 =	vshll.u32 v17, $0x4;
	v25 =	vld [tilespmem:s17+$0x180]  }
0xb4: {  	v5 =	vand.u32 $0x1FFF, v6;
	v26 =	vshll.u32 v18, $0x4;
	v23 =	vor.u32 v0, v23;
	v27 =	vld.idx.msk [tilespmem:v19+s12+$0x0], $0xffff  }
0xb5: {  	v6 =	vand.u32 $0x1FFF, v4;
	v26 =	vor.u32 v0, v26;
	v4 =	vand.u32 $0x1FFF, v23;
	v23 =	vld.idx.msk [tilespmem:v19+s13+$0x0], $0xffff  }
0xb6: {  	v29 =	vand.u32 $0x1FF, v10;
	v28 =	vand.u32 $0x1FF, v18;
	v26 =	vand.u32 $0x1FFF, v26;
	v21 =	vld.idx.msk [tilespmem:v21+s11+$0x0], $0xffff;
	[tilespmem:s18+$0xFFFFFF40] =	vst.msk vm2, v20  }
0xb7: {  	v30 =	vand.u32 $0x1FF, v15;
	v31 =	vand.u32 $0x1FF, v13;
	v32 =	vand.u32 $0x1FF, v12;
	v20 =	vld.idx.msk [tilespmem:v7+s12+$0x0], $0xffff;
	[tilespmem:s18+$0xFFFFFF80] =	vst.msk vm1, v22  }
0xb8: {  	v33 =	vand.u32 $0x1FF, v17;
	v22 =	vld.idx.msk [tilespmem:v7+s13+$0x0], $0xffff;
	[tilespmem:s18+$0xFFFFFFC0] =	vst.msk vm0, v24  }
0xb9: {  	v19 =	vld.idx.msk [tilespmem:v19+s14+$0x0], $0xffff  }
0xba: {  	v24 =	vld.idx.msk [tilespmem:v8+s12+$0x0], $0xffff  }
0xbb: {  	vm0 =	veq.s32 v27, v14;
	vm1 =	veq.s32 v23, v25;
	v34 =	vld.idx.msk [tilespmem:v26+s12+$0x0], $0xffff  }
0xbc: {  	vm1 =	vmand vm0, vm1;
	vm2 =	vgt.s32 v21, v0;
	v14 =	vld.idx.msk [tilespmem:v26+s13+$0x0], $0xffff  }
0xbd: {  	vm0 =	veq.s32 v20, v11;
	vm1 =	vmand vm2, vm1;
	vm2 =	vlt.s32 v21, $0x11;
	v11 =	vld.idx.msk [tilespmem:v8+s13+$0x0], $0xffff  }
0xbe: {  	s18 =	sadd.s32 $0x200, s18;
	vm1 =	vmand vm2, vm1;
	v20 =	vld.idx.msk [tilespmem:v9+s12+$0x0], $0xffff  }
0xbf: {  	v21 =	vld.idx.msk [tilespmem:v9+s13+$0x0], $0xffff;
	[tilespmem:s18+$0x0] =	vst.msk vm1, v19  }
0xc0: {  	vm1 =	veq.s32 v24, v10;
	v10 =	vld.idx.msk [tilespmem:v5+s12+$0x0], $0xffff  }
0xc1: {  	vm3 =	veq.s32 v34, v18;
	v18 =	vld.idx.msk [tilespmem:v5+s13+$0x0], $0xffff  }
0xc2: {  	v19 =	vld.idx.msk [tilespmem:v6+s12+$0x0], $0xffff  }
0xc3: {  	v23 =	vld.idx.msk [tilespmem:v6+s13+$0x0], $0xffff  }
0xc4: {  	vm2 =	veq.s32 v20, v15;
	v15 =	vld.idx.msk [tilespmem:v4+s12+$0x0], $0xffff  }
0xc5: {  	v20 =	vld.idx.msk [tilespmem:v4+s13+$0x0], $0xffff  }
0xc6: {  	vm4 =	veq.s32 v10, v13;
	v24 =	vld [tilespmem:s17+$0xFFFFFE00]  }
0xc7: {  	v10 =	vld [tilespmem:s17+$0xFFFFFE80]  }
0xc8: {  	vm5 =	veq.s32 v19, v12;
	v13 =	vld [tilespmem:s17+$0xFFFFFF00]  }
0xc9: {  	v12 =	vld [tilespmem:s17+$0xFFFFFF80]  }
0xca: {  	vm6 =	veq.s32 v15, v17;
	v19 =	vld [tilespmem:s17+$0x0]  }
0xcb: {  	vm7 =	veq.s32 v14, v24;
	v14 =	vld [tilespmem:s17+$0x80]  }
0xcc: {  	vm8 =	vmand vm3, vm7;
	vm3 =	veq.s32 v22, v10;
	v10 =	vld [tilespmem:s17+$0x100]  }
0xcd: {  	v15 =	vld.idx.msk [tilespmem:v28+s11+$0x0], $0xffff;
	vm9 =	vmand vm0, vm3;
	vm0 =	veq.s32 v11, v13  }
0xce: {  	v16 =	vld.idx.msk [tilespmem:v16+s11+$0x0], $0xffff;
	vm7 =	vmand vm1, vm0;
	vm0 =	veq.s32 v21, v12  }
0xcf: {  	v17 =	vld.idx.msk [tilespmem:v29+s11+$0x0], $0xffff;
	vm10 =	vmand vm2, vm0;
	vm0 =	veq.s32 v18, v19  }
0xd0: {  	v18 =	vld.idx.msk [tilespmem:v30+s11+$0x0], $0xffff;
	vm2 =	vmand vm4, vm0;
	vm0 =	veq.s32 v23, v14  }
0xd1: {  	v14 =	vld.idx.msk [tilespmem:v31+s11+$0x0], $0xffff;
	vm1 =	vmand vm5, vm0;
	vm0 =	veq.s32 v20, v10  }
0xd2: {  	v11 =	vld.idx.msk [tilespmem:v32+s11+$0x0], $0xffff;
	vm0 =	vmand vm6, vm0  }
.Ltmp4:
0xd3: {  	vm4 =	vgt.s32 v15, v0;
	vm3 =	vlt.s32 v15, $0x11;
	v10 =	vld.idx.msk [tilespmem:v33+s11+$0x0], $0xffff;
	(pc) =	sbr.rel @p0 .LBB2_6-.Ltmp4, $4  }
0xd4: {  	vm4 =	vmand vm4, vm8;
	vm6 =	vgt.s32 v16, v0;
	vm5 =	vlt.s32 v16, $0x11;
	v13 =	vld.idx.msk [tilespmem:v26+s14+$0x0], $0xffff  }
0xd5: {  	vm8 =	vmand vm6, vm9;
	vm9 =	vgt.s32 v17, v0;
	vm6 =	vlt.s32 v17, $0x11;
	v12 =	vld.idx.msk [tilespmem:v7+s14+$0x0], $0xffff  }
0xd6: {  	vm9 =	vmand vm9, vm7;
	vm11 =	vgt.s32 v18, v0;
	vm7 =	vlt.s32 v18, $0x11;
	v7 =	vld.idx.msk [tilespmem:v8+s14+$0x0], $0xffff  }
0xd7: {  	s20 =	sadd.s32 $0x400, s20;
	vm11 =	vmand vm11, vm10;
	vm12 =	vgt.s32 v14, v0;
	vm10 =	vlt.s32 v14, $0x11;
	v8 =	vld.idx.msk [tilespmem:v9+s14+$0x0], $0xffff  }
0xd8: {  	(v2sf) =	vpush v3, $0x0;
	_ =	sdelay $0xd  }
0xd9: {  	vm3 =	vmand vm3, vm4;
	v3 =	vld.idx.msk [tilespmem:v5+s14+$0x0], $0xffff  }
0xda: {  	vm14 =	vmand vm5, vm8;
	v63 =	vld.idx.msk [tilespmem:v6+s14+$0x0], $0xffff;
	[tilespmem:s18+$0xFFFFFE40] =	vst.msk vm3, v13;
	s17 =	spop (v2sf)  }
0xdb: {  	vm2 =	vmand vm12, vm2;
	vm15 =	vmand vm6, vm9;
	v4 =	vld.idx.msk [tilespmem:v4+s14+$0x0], $0xffff;
	[tilespmem:s18+$0xFFFFFE80] =	vst.msk vm14, v12;
	p0 =	slt.s32 s17, $0x1  }
.Ltmp5:
0xdc: {  	vm9 =	vgt.s32 v11, v0;
	vm12 =	vlt.s32 v11, $0x11;
	vm13 =	vmand vm7, vm11;
	[tilespmem:s18+$0xFFFFFEC0] =	vst.msk vm15, v7;
	(pc) =	sbr.rel @!p0 .LBB2_8-.Ltmp5, $4  }
.Ltmp6:
0xdd: {  	vm1 =	vmand vm9, vm1;
	vm2 =	vmand vm10, vm2;
	vm14 =	vgt.s32 v10, v0;
	[tilespmem:s18+$0xFFFFFF00] =	vst.msk vm13, v8;
	(pc) =	sbr.rel @p0 .LBB2_13-.Ltmp6, $4  }
0xde: {  	vm1 =	vmand vm12, vm1;
	vm15 =	vlt.s32 v10, $0x11;
	vm0 =	vmand vm14, vm0;
	[tilespmem:s18+$0xFFFFFF40] =	vst.msk vm2, v3  }
0xdf: {  	vm0 =	vmand vm15, vm0;
	[tilespmem:s18+$0xFFFFFF80] =	vst.msk vm1, v63  }
0xe0: {  	[tilespmem:s18+$0xFFFFFFC0] =	vst.msk vm0, v4;
	s17 =	simm.s32 $0x0  }
0xe1: {  	_ = 	snop  }
.LBB2_12:
0xe2: {  	s17 =	sadd.s32 $0x1, s17  }
0xe3: {  	p0 =	sne.s32 s17, $0x100  }
.Ltmp7:
0xe4: {  	_ = 	snop;
	(pc) =	sbr.rel @!p0 .LBB2_13-.Ltmp7, $1  }
0xe5: {  	_ =	sdelay $0x3  }
.LBB2_8:
0xe6: {  	s18 =	sshll.u32 s17, $0x7  }
0xe7: {  	v3 =	vld [tilespmem:s18+$0x0];
	_ =	sdelay $0x4  }
0xe8: {  	v4 =	vand.u32 $0x1FF, v3;
	_ =	sdelay $0x4  }
0xe9: {  	v4 =	vld.idx.msk [tilespmem:v4+s11+$0x0], $0xffff;
	_ =	sdelay $0x4  }
0xea: {  	(v2sf) =	vpush v4, $0x0;
	_ =	sdelay $0xe  }
0xeb: {  	s19 =	spop (v2sf)  }
0xec: {  	p0 =	slt.s32 s19, $0x11  }
.Ltmp8:
0xed: {  	_ = 	snop;
	(pc) =	sbr.rel @p0 .LBB2_12-.Ltmp8, $2  }
0xee: {  	_ =	sdelay $0x2  }
0xef: {  	v4 =	vld [tilespmem:s18+$0x8000]  }
0xf0: {  	[tilespmem:$0x17200] =	vst v2  }
0xf1: {  	[tilespmem:$0x17210] =	vst v2  }
0xf2: {  	[tilespmem:$0x17220] =	vst v2  }
0xf3: {  	[tilespmem:$0x17230] =	vst v2  }
0xf4: {  	[tilespmem:$0x17240] =	vst v2;
	s19 =	simm.s32 $0x10800  }
0xf5: {  	s18 =	simm.s32 $0x10000;
	v5 =	vld [tilespmem:s19+$0x0]  }
0xf6: {  	v6 =	vld [tilespmem:s18+$0x0];
	_ =	sdelay $0x4  }
0xf7: {  	vm0 =	veq.s32 v6, v3;
	vm1 =	veq.s32 v5, v4  }
0xf8: {  	vm0 =	vmand vm0, vm1  }
0xf9: {  	v5 =	vmpcnt.ones.xlane vm0;
	_ =	sdelay $0x1  }
0xfa: {  	(v2sf) =	vpush v5, $0x0;
	_ =	sdelay $0xe  }
0xfb: {  	s19 =	spop (v2sf)  }
0xfc: {  	p0 =	slt.s32 s19, $0x1  }
0xfd: {  	s20 =	simm.s32 $0x0;
	v5 =	vlaneseq.u32 @!p0  }
0xfe: {  	p1 =	por @!p0 $0x1, $0x1;
	v5 =	vor.u32 @!p0 s20, v5  }
0xff: {  	s21 =	sadd.s32 @!p0 $0x0, s19;
	p1 =	por !p1, p0;
	v5 =	vcvt.s32.f32 @!p0 v5  }
0x100: {  	s21 =	smov.u32 @p0 s20;
	s20 =	simm.s32 @p1 $0x40  }
0x101: {  	s19 =	simm.s32 $0x10;
	[tilespmem:s20+$0x17200] =	vst.msk @!p0 vm0, v5;
	s20 =	simm.s32 $0x10810  }
.LBB2_10:
0x102: {  	s22 =	smov.u32 s21  }
0x103: {  	s18 =	sadd.s32 $0x10, s18;
	s23 =	smov.u32 s19;
	s24 =	smov.u32 s21;
	v5 =	vld [tilespmem:s20+$0x0]  }
0x104: {  	s19 =	sadd.s32 $0x10, s19;
	v6 =	vld [tilespmem:s18+$0x0]  }
0x105: {  	p0 =	sne.s32 s19, $0x800;
	_ =	sdelay $0x3  }
0x106: {  	vm1 =	veq.s32 v5, v4;
	vm0 =	veq.s32 v6, v3  }
0x107: {  	vm0 =	vmand vm0, vm1  }
0x108: {  	v5 =	vmpcnt.ones.xlane vm0;
	_ =	sdelay $0x1  }
0x109: {  	(v2sf) =	vpush v5, $0x0;
	_ =	sdelay $0xe  }
0x10a: {  	s21 =	spop (v2sf)  }
0x10b: {  	p1 =	slt.s32 s21, $0x1  }
.Ltmp9:
0x10c: {  	v5 =	vlaneseq.u32 @!p1;
	s21 =	sadd.s32 @!p1 s22, s21;
	(pc) =	sbr.rel @p0 .LBB2_10-.Ltmp9, $4  }
0x10d: {  	p2 =	slt.s32 @!p1 s24, $0x40;
	v5 =	vor.u32 @!p1 s23, v5;
	s21 =	smov.u32 @p1 s22  }
0x10e: {  	p2 =	por !p2, p1;
	v5 =	vcvt.s32.f32 @!p1 v5  }
0x10f: {  	s24 =	simm.s32 @p2 $0x40  }
0x110: {  	s20 =	sadd.s32 $0x10, s20;
	[tilespmem:s24+$0x17200] =	vst.msk @!p1 vm0, v5  }
0x111: {  	v3 =	vld [tilespmem:$0x17200];
	_ =	sdelay $0x2  }
0x112: {  	s18 =	sshll.u32 s17, $0x6  }
0x113: {  	s18 =	sand.u32 $0x3FFFFFC0, s18  }
0x114: {  	[tilespmem:s18+$0x17280] =	vst v3  }
0x115: {  	v3 =	vld [tilespmem:$0x17210];
	_ =	sdelay $0x4  }
0x116: {  	[tilespmem:s18+$0x17290] =	vst v3  }
0x117: {  	v3 =	vld [tilespmem:$0x17220];
	_ =	sdelay $0x4  }
0x118: {  	[tilespmem:s18+$0x172A0] =	vst v3  }
0x119: {  	v3 =	vld [tilespmem:$0x17230]  }
.Ltmp10:
0x11a: {  	_ = 	snop;
	(pc) =	sbr.rel .LBB2_12-.Ltmp10, $2  }
0x11b: {  	_ =	sdelay $0x2  }
0x11c: {  	[tilespmem:s18+$0x172B0] =	vst v3  }
.LBB2_14:
0x11d: {  	_ =	sfence.sel $0x180000  }
0x11e: {  	[bflag:$0x0] =	sbarrier.arrive $0xFFFF  }
0x11f: {  	p0 =	sne.s32 s0, $0x0;
	_ =	strace $0x90000047  }
0x120: {  	s0 =	sadd.s32 @!p0 $0x100000, s1;
	[bflag:$0x2] =	sbarrier.arrive $0xFFFF  }
0x121: {  	[sflag:s0] =	ssyncadd.tile.s32 @!p0 $0x1;
	_ =	shalt  }
.Lfunc_end2:
_tile_overlayer_lowered:
.L_overlay_start_2:
0x122: {  	(tag) =	ssettag $0x2  }
0x123: {  	s0 =	rddreg [dreg:$0x0];
	s2 =	stileid.u32  }
0x124: {  	s1 =	rddreg [dreg:$0x1];
	p0 =	sne.s32 s2, $0x0  }
0x125: {  	s3 =	rddreg [dreg:$0x2];
	[bflag:$0x3] =	sbarrier.arrive $0xFFFF;
	s2 =	simm.s32 @!p0 $0x1C01  }
0x126: {  	[timem:s3], [sflag:s2] =	dma.local @!p0 [hbm:s0], s1  }
0x127: {  	s0 =	simm.s32 @!p0 $0x1  }
0x128: {  	_ =	swait.ge @!p0 [sflag:s0], s1  }
0x129: {  	s1 =	ssub.s32 @!p0 $0x0, s1;
	[sflag:s0] =	ssyncset.done @!p0 $0x0  }
0x12a: {  	[sflag:s0] =	ssyncadd.s32 @!p0 s1  }
0x12b: {  	[bflag:$0x3] =	sbarrier.arrive $0xFFFF  }
0x12c: {  	_ =	shalt  }

</sc_bundles>
